<compile_context>
chip_gen: v7x
topology: tpu7x:2x2x1
jax: 0.10.2.dev20260603
libtpu: 0.0.44.dev20260713+nightly
codegen_flags: <defaults>
</compile_context>

<pallas_src>
import functools

import jax
import jax.numpy as jnp
from jax import lax
from jax.experimental import pallas as pl
from jax.experimental.pallas import tpu as pltpu
from jax.experimental.pallas import tpu_sc as plsc

B = 16384
L = 50
EMB = 32
BP = 129

NC = 2
NS = 16
NW = NC * NS

TBG = 4
C = TBG * 128
N_UNITS = L * (B // 128) // TBG
U_PER_W = N_UNITS // NW
I_PER_W = U_PER_W * C

_mesh = plsc.VectorSubcoreMesh(core_axis_name="c", subcore_axis_name="s")


@functools.partial(
    pl.kernel,
    mesh=_mesh,
    compiler_params=pltpu.CompilerParams(
        use_tc_tiling_on_sc=False, needs_layout_passes=False
    ),
    out_type=jax.ShapeDtypeStruct((L, EMB // 8, B // 128, 8, 128), jnp.float32),
    scratch_types=[
        pltpu.VMEM((I_PER_W,), jnp.int32),
        pltpu.VMEM((C, EMB), jnp.float32),
        pltpu.VMEM((C, EMB), jnp.float32),
        pltpu.VMEM((EMB // 8, TBG, 8, BP), jnp.float32),
        pltpu.VMEM((EMB // 8, TBG, 8, BP), jnp.float32),
        pltpu.SemaphoreType.DMA,
        pltpu.SemaphoreType.DMA,
        pltpu.SemaphoreType.DMA,
        pltpu.SemaphoreType.DMA,
    ],
)
def _embed_relu(idx_hbm, table_hbm, out_hbm,
                idx_all, rows0, rows1, tile0, tile1,
                gsem0, gsem1, wsem0, wsem1):
    wid = lax.axis_index("s") * NC + lax.axis_index("c")
    lane = lax.iota(jnp.int32, 16)
    te_lo = jax.lax.shift_right_logical(lane, 3)
    te_hi = te_lo + 2
    ee_v = lane & 7
    rows_b = (rows0, rows1)
    tile_b = (tile0, tile1)
    gsem_b = (gsem0, gsem1)
    wsem_b = (wsem0, wsem1)

    pltpu.sync_copy(idx_hbm.at[pl.ds(wid * I_PER_W, I_PER_W)], idx_all)

    def start_gather(u, b):
        pltpu.async_copy(
            table_hbm.at[idx_all.at[pl.ds(u * C, C)]], rows_b[b], gsem_b[b]
        )

    def tile_src(b):
        return tile_b[b].at[:, :, :, pl.ds(0, 128)]

    start_gather(0, 0)

    def unit_body(i, carry):
        for b in range(2):
            u = i * 2 + b
            nb = 1 - b

            @pl.when(u + 1 < U_PER_W)
            def _():
                @pl.when(u >= 1)
                def _():
                    pltpu.make_async_copy(
                        tile_src(nb), out_hbm.at[0, :, pl.ds(0, TBG)], wsem_b[nb]
                    ).wait()

                start_gather(u + 1, nb)

            pltpu.make_async_copy(
                table_hbm.at[idx_all.at[pl.ds(0, C)]], rows_b[b], gsem_b[b]
            ).wait()

            for j in range(TBG):
                j_v = jnp.full((16,), j, jnp.int32)

                def row_body(rq, bb_v, j=j, j_v=j_v):
                    for s in range(4):
                        r = j * 128 + rq * 4 + s
                        v0 = rows_b[b][r, pl.ds(0, 16)]
                        v1 = rows_b[b][r, pl.ds(16, 16)]
                        plsc.store_scatter(
                            tile_b[b], [te_lo, j_v, ee_v, bb_v], jnp.maximum(v0, 0.0)
                        )
                        plsc.store_scatter(
                            tile_b[b], [te_hi, j_v, ee_v, bb_v], jnp.maximum(v1, 0.0)
                        )
                        bb_v = bb_v + 1
                    return bb_v

                lax.fori_loop(0, 32, row_body, jnp.zeros((16,), jnp.int32))

            unit = wid * U_PER_W + u
            l = unit // (B // 128 // TBG)
            tb0 = (unit % (B // 128 // TBG)) * TBG
            pltpu.async_copy(
                tile_src(b), out_hbm.at[l, :, pl.ds(tb0, TBG)], wsem_b[b]
            )
        return carry

    lax.fori_loop(0, U_PER_W // 2, unit_body, 0)
    pltpu.make_async_copy(tile_src(0), out_hbm.at[0, :, pl.ds(0, TBG)], wsem0).wait()
    pltpu.make_async_copy(tile_src(1), out_hbm.at[0, :, pl.ds(0, TBG)], wsem1).wait()


def kernel(inp, table):
    idx = inp.T.reshape(L * B).astype(jnp.int32)
    out5 = _embed_relu(idx, table)
    out = out5.transpose(2, 4, 0, 1, 3)
    return out.reshape(B, L, EMB)

# --- scband reference (transcript-rebuilt; emitter-appended) ---
"""Pipeline reference for scband-word-embedding-51694226375090 (READ-ONLY COPY).

The authoritative reference and input builder live on the scoring server;
editing this copy changes nothing except your own understanding.
"""

import jax, jax.numpy as jnp
import numpy as np

VOCAB = 1000000
EMB_DIM = 32
B = 16384
L = 50

def setup_inputs(seed: int = 0) -> dict:
    key = jax.random.key(seed)
    k_idx, k_tab = jax.random.split(key)
    inp = jax.random.randint(k_idx, (B, L), 0, VOCAB, dtype=jnp.int64) if jax.config.jax_enable_x64 else jax.random.randint(k_idx, (B, L), 0, VOCAB, dtype=jnp.int32)
    table = jax.random.normal(k_tab, (VOCAB, EMB_DIM), dtype=jnp.float32) * 0.02
    return {"inp": inp, "table": table}

def reference(inp, table):
    # nn.Embedding lookup followed by ReLU (dropout_prob=0 -> identity)
    emb = jnp.take(table, inp, axis=0)  # [B, L, EMB_DIM]
    out = jax.nn.relu(emb)
    return out

if __name__ == "__main__":
    import jax
    _d = setup_inputs()
    print(jax.jit(kernel)(*tuple(_d.values())))

</pallas_src>

<mosaic_0001>
#map = affine_map<(d0, d1) -> (0)>
#map1 = affine_map<(d0, d1) -> (0, 0)>
#map2 = affine_map<(d0, d1) -> (0, 0, 0, 0, 0)>
module attributes {stable_mosaic.version = 14 : i64} {
  func.func @_embed_relu(%arg0: i32, %arg1: i32, %arg2: memref<819200xi32, #tpu.memory_space<hbm>>, %arg3: memref<1000000x32xf32, #tpu.memory_space<hbm>>, %arg4: memref<50x4x128x8x128xf32, #tpu.memory_space<hbm>>, %arg5: memref<25600xi32, #tpu.memory_space<vmem>>, %arg6: memref<512x32xf32, #tpu.memory_space<vmem>>, %arg7: memref<512x32xf32, #tpu.memory_space<vmem>>, %arg8: memref<4x4x8x129xf32, #tpu.memory_space<vmem>>, %arg9: memref<4x4x8x129xf32, #tpu.memory_space<vmem>>, %arg10: memref<!tpu.dma_semaphore, #tpu.memory_space<semaphore_mem>>, %arg11: memref<!tpu.dma_semaphore, #tpu.memory_space<semaphore_mem>>, %arg12: memref<!tpu.dma_semaphore, #tpu.memory_space<semaphore_mem>>, %arg13: memref<!tpu.dma_semaphore, #tpu.memory_space<semaphore_mem>>) attributes {dimension_semantics = [#tpu.dimension_semantics<core_parallel>, #tpu.dimension_semantics<subcore_parallel>], iteration_bounds = array<i64: 2, 16>, scalar_prefetch = 0 : i64, scratch_operands = 9 : i64, tpu.core_type = #tpu.core_type<sc_vector_subcore>, window_params = [{transform_indices = #map}, {transform_indices = #map1}, {transform_indices = #map2}]} {
    %mul3A = arith.constant 2 : i32
    %mul3A_0 = arith.muli %arg1, %mul3A : i32
    %add3A = arith.addi %mul3A_0, %arg0 : i32
    %iota3A = tpu.iota {dimensions = array<i32: 0>} : vector<16xi32>
    %shift_right_logical3A = arith.constant 3 : i32
    %shift_right_logical3A_1 = vector.broadcast %shift_right_logical3A : i32 to vector<16xi32>
    %shift_right_logical3A_2 = arith.shrui %iota3A, %shift_right_logical3A_1 : vector<16xi32>
    %add3A_3 = arith.constant 2 : i32
    %add3A_4 = vector.broadcast %add3A_3 : i32 to vector<16xi32>
    %add3A_5 = arith.addi %shift_right_logical3A_2, %add3A_4 : vector<16xi32>
    %and3A = arith.constant 7 : i32
    %and3A_6 = vector.broadcast %and3A : i32 to vector<16xi32>
    %and3A_7 = arith.andi %iota3A, %and3A_6 : vector<16xi32>
    %mul3A_8 = arith.constant 25600 : i32
    %mul3A_9 = arith.muli %add3A, %mul3A_8 : i32
    "tpu.region"() ({
      %run_scoped3A = tpu.sem_alloc : memref<!tpu.dma_semaphore, #tpu.memory_space<semaphore_mem>>
      %dma_start3A_64 = tpu.memref_slice %arg2[%mul3A_9] : memref<819200xi32, #tpu.memory_space<hbm>> -> memref<25600xi32, #tpu.memory_space<hbm>>
      %dma_start3A_65 = tpu.memref_slice %arg2[%mul3A_9] : memref<819200xi32, #tpu.memory_space<hbm>> -> memref<25600xi32, #tpu.memory_space<hbm>>
      tpu.enqueue_dma source(%dma_start3A_65 : memref<25600xi32, #tpu.memory_space<hbm>>) target(%arg5 : memref<25600xi32, #tpu.memory_space<vmem>>) target_semaphore(%run_scoped3A : memref<!tpu.dma_semaphore, #tpu.memory_space<semaphore_mem>>)
      %dma_wait3A_66 = tpu.memref_slice %arg2[%mul3A_9] : memref<819200xi32, #tpu.memory_space<hbm>> -> memref<25600xi32, #tpu.memory_space<hbm>>
      %dma_wait3A_67 = tpu.memref_slice %arg2[%mul3A_9] : memref<819200xi32, #tpu.memory_space<hbm>> -> memref<25600xi32, #tpu.memory_space<hbm>>
      tpu.wait_dma2 semaphore(%run_scoped3A : memref<!tpu.dma_semaphore, #tpu.memory_space<semaphore_mem>>) src(%dma_wait3A_67 : memref<25600xi32, #tpu.memory_space<hbm>>) dst(%arg5 : memref<25600xi32, #tpu.memory_space<vmem>>)
      tpu.yield
    }) : () -> ()
    %dma_start3A = arith.constant 0 : i32
    %dma_start3A_10 = tpu.memref_slice %arg5[%dma_start3A] : memref<25600xi32, #tpu.memory_space<vmem>> -> memref<512xi32, #tpu.memory_space<vmem>>
    %dma_start3A_11 = arith.constant 0 : i32
    %dma_start3A_12 = arith.constant 0 : i32
    %dma_start3A_13 = tpu.memref_slice %arg3[%dma_start3A_11, %dma_start3A_12] : memref<1000000x32xf32, #tpu.memory_space<hbm>> -> memref<1000000x32xf32, #tpu.memory_space<hbm>>
    tpu.enqueue_indirect_dma source(%dma_start3A_13 : memref<1000000x32xf32, #tpu.memory_space<hbm>>) target(%arg6 : memref<512x32xf32, #tpu.memory_space<vmem>>) offsets(%dma_start3A_10 : memref<512xi32, #tpu.memory_space<vmem>>) semaphore(%arg10 : memref<!tpu.dma_semaphore, #tpu.memory_space<semaphore_mem>>)
    %scan3A = arith.constant 0 : i32
    %scan3A_14 = arith.constant 0 : i32
    %scan3A_15 = arith.constant 25 : i32
    %scan3A_16 = arith.addi %scan3A_14, %scan3A_15 : i32
    %scan3A_17 = arith.constant 1 : i32
    scf.for %scan3A_64 = %scan3A_14 to %scan3A_16 step %scan3A_17  : i32 {
      %mul3A_65 = arith.constant 2 : i32
      %mul3A_66 = arith.muli %scan3A_64, %mul3A_65 : i32
      %add3A_67 = arith.constant 0 : i32
      %add3A_68 = arith.addi %mul3A_66, %add3A_67 : i32
      %add3A_69 = arith.constant 1 : i32
      %add3A_70 = arith.addi %add3A_68, %add3A_69 : i32
      %lt3A = arith.constant 50 : i32
      %lt3A_71 = arith.cmpi slt, %add3A_70, %lt3A : i32
      %convert_element_type3A = arith.extui %lt3A_71 : i1 to i32
      %cond3A = arith.constant 0 : i32
      %cond3A_72 = arith.cmpi ne, %convert_element_type3A, %cond3A : i32
      scf.if %cond3A_72 {
        %ge3A = arith.constant 1 : i32
        %ge3A_295 = arith.cmpi sge, %add3A_68, %ge3A : i32
        %convert_element_type3A_296 = arith.extui %ge3A_295 : i1 to i32
        %cond3A_297 = arith.constant 0 : i32
        %cond3A_298 = arith.cmpi ne, %convert_element_type3A_296, %cond3A_297 : i32
        scf.if %cond3A_298 {
          %dma_wait3A_307 = arith.constant 0 : i32
          %dma_wait3A_308 = arith.constant 0 : i32
          %dma_wait3A_309 = arith.constant 0 : i32
          %dma_wait3A_310 = arith.constant 0 : i32
          %dma_wait3A_311 = arith.constant 0 : i32
          %dma_wait3A_312 = tpu.memref_slice %arg9[%dma_wait3A_308, %dma_wait3A_309, %dma_wait3A_310, %dma_wait3A_311] : memref<4x4x8x129xf32, #tpu.memory_space<vmem>> -> memref<4x4x8x128xf32, #tpu.memory_space<vmem>>
          %dma_wait3A_313 = arith.constant 0 : i32
          %dma_wait3A_314 = arith.constant 0 : i32
          %dma_wait3A_315 = arith.constant 0 : i32
          %dma_wait3A_316 = arith.constant 0 : i32
          %dma_wait3A_317 = tpu.memref_slice %arg4[%dma_wait3A_307, %dma_wait3A_313, %dma_wait3A_314, %dma_wait3A_315, %dma_wait3A_316] : memref<50x4x128x8x128xf32, #tpu.memory_space<hbm>> -> memref<1x4x4x8x128xf32, #tpu.memory_space<hbm>>
          %dma_wait3A_318 = tpu.memref_squeeze %dma_wait3A_317 : memref<1x4x4x8x128xf32, #tpu.memory_space<hbm>> -> memref<4x4x8x128xf32, #tpu.memory_space<hbm>>
          %dma_wait3A_319 = arith.constant 0 : i32
          %dma_wait3A_320 = arith.constant 0 : i32
          %dma_wait3A_321 = arith.constant 0 : i32
          %dma_wait3A_322 = arith.constant 0 : i32
          %dma_wait3A_323 = tpu.memref_slice %arg4[%dma_wait3A_307, %dma_wait3A_319, %dma_wait3A_320, %dma_wait3A_321, %dma_wait3A_322] : memref<50x4x128x8x128xf32, #tpu.memory_space<hbm>> -> memref<1x4x4x8x128xf32, #tpu.memory_space<hbm>>
          %dma_wait3A_324 = tpu.memref_squeeze %dma_wait3A_323 : memref<1x4x4x8x128xf32, #tpu.memory_space<hbm>> -> memref<4x4x8x128xf32, #tpu.memory_space<hbm>>
          %dma_wait3A_325 = arith.constant 0 : i32
          %dma_wait3A_326 = arith.constant 0 : i32
          %dma_wait3A_327 = arith.constant 0 : i32
          %dma_wait3A_328 = arith.constant 0 : i32
          %dma_wait3A_329 = tpu.memref_slice %arg9[%dma_wait3A_325, %dma_wait3A_326, %dma_wait3A_327, %dma_wait3A_328] : memref<4x4x8x129xf32, #tpu.memory_space<vmem>> -> memref<4x4x8x128xf32, #tpu.memory_space<vmem>>
          tpu.wait_dma2 semaphore(%arg13 : memref<!tpu.dma_semaphore, #tpu.memory_space<semaphore_mem>>) src(%dma_wait3A_329 : memref<4x4x8x128xf32, #tpu.memory_space<vmem>>) dst(%dma_wait3A_324 : memref<4x4x8x128xf32, #tpu.memory_space<hbm>>)
        } else {
        }
        %add3A_299 = arith.constant 1 : i32
        %add3A_300 = arith.addi %add3A_68, %add3A_299 : i32
        %mul3A_301 = arith.constant 512 : i32
        %mul3A_302 = arith.muli %add3A_300, %mul3A_301 : i32
        %dma_start3A_303 = tpu.memref_slice %arg5[%mul3A_302] : memref<25600xi32, #tpu.memory_space<vmem>> -> memref<512xi32, #tpu.memory_space<vmem>>
        %dma_start3A_304 = arith.constant 0 : i32
        %dma_start3A_305 = arith.constant 0 : i32
        %dma_start3A_306 = tpu.memref_slice %arg3[%dma_start3A_304, %dma_start3A_305] : memref<1000000x32xf32, #tpu.memory_space<hbm>> -> memref<1000000x32xf32, #tpu.memory_space<hbm>>
        tpu.enqueue_indirect_dma source(%dma_start3A_306 : memref<1000000x32xf32, #tpu.memory_space<hbm>>) target(%arg7 : memref<512x32xf32, #tpu.memory_space<vmem>>) offsets(%dma_start3A_303 : memref<512xi32, #tpu.memory_space<vmem>>) semaphore(%arg11 : memref<!tpu.dma_semaphore, #tpu.memory_space<semaphore_mem>>)
      } else {
      }
      %dma_wait3A_73 = arith.constant 0 : i32
      %dma_wait3A_74 = tpu.memref_slice %arg5[%dma_wait3A_73] : memref<25600xi32, #tpu.memory_space<vmem>> -> memref<512xi32, #tpu.memory_space<vmem>>
      %dma_wait3A_75 = arith.constant 0 : i32
      %dma_wait3A_76 = arith.constant 0 : i32
      %dma_wait3A_77 = tpu.memref_slice %arg3[%dma_wait3A_75, %dma_wait3A_76] : memref<1000000x32xf32, #tpu.memory_space<hbm>> -> memref<1000000x32xf32, #tpu.memory_space<hbm>>
      tpu.wait_indirect_dma semaphore(%arg10 : memref<!tpu.dma_semaphore, #tpu.memory_space<semaphore_mem>>) src(%dma_wait3A_77 : memref<1000000x32xf32, #tpu.memory_space<hbm>>) dst(%arg6 : memref<512x32xf32, #tpu.memory_space<vmem>>)
      %broadcast_in_dim3A = arith.constant 0 : i32
      %broadcast_in_dim3A_78 = vector.broadcast %broadcast_in_dim3A : i32 to vector<16xi32>
      %broadcast_in_dim3A_79 = arith.constant 0 : i32
      %broadcast_in_dim3A_80 = vector.broadcast %broadcast_in_dim3A_79 : i32 to vector<16xi32>
      %scan3A_81 = arith.constant 0 : i32
      %scan3A_82 = arith.constant 32 : i32
      %scan3A_83 = arith.addi %scan3A_81, %scan3A_82 : i32
      %scan3A_84 = arith.constant 1 : i32
      %scan3A_85 = scf.for %scan3A_295 = %scan3A_81 to %scan3A_83 step %scan3A_84 iter_args(%scan3A_296 = %broadcast_in_dim3A_80) -> (vector<16xi32>)  : i32 {
        %mul3A_297 = arith.constant 4 : i32
        %mul3A_298 = arith.muli %scan3A_295, %mul3A_297 : i32
        %add3A_299 = arith.constant 0 : i32
        %add3A_300 = arith.addi %add3A_299, %mul3A_298 : i32
        %add3A_301 = arith.constant 0 : i32
        %add3A_302 = arith.addi %add3A_300, %add3A_301 : i32
        %get3A = arith.index_cast %add3A_302 : i32 to index
        %get3A_303 = arith.constant 0 : index
        %get3A_304 = tpu.vector_load %arg6[%get3A, %get3A_303] {strides = array<i32>} : memref<512x32xf32, #tpu.memory_space<vmem>>, vector<16xf32>,
        %get3A_305 = arith.index_cast %add3A_302 : i32 to index
        %get3A_306 = arith.constant 16 : index
        %get3A_307 = tpu.vector_load %arg6[%get3A_305, %get3A_306] {strides = array<i32>} : memref<512x32xf32, #tpu.memory_space<vmem>>, vector<16xf32>,
        %max3A = arith.constant 0.000000e+00 : f32
        %max3A_308 = vector.broadcast %max3A : f32 to vector<16xf32>
        %max3A_309 = arith.maximumf %get3A_304, %max3A_308 : vector<16xf32>
        tpu.vector_store_idx %arg8[%shift_right_logical3A_2, %broadcast_in_dim3A_78, %and3A_7, %scan3A_296], %max3A_309 : memref<4x4x8x129xf32, #tpu.memory_space<vmem>>[vector<16xi32>, vector<16xi32>, vector<16xi32>, vector<16xi32>], vector<16xf32>,
        %max3A_310 = arith.constant 0.000000e+00 : f32
        %max3A_311 = vector.broadcast %max3A_310 : f32 to vector<16xf32>
        %max3A_312 = arith.maximumf %get3A_307, %max3A_311 : vector<16xf32>
        tpu.vector_store_idx %arg8[%add3A_5, %broadcast_in_dim3A_78, %and3A_7, %scan3A_296], %max3A_312 : memref<4x4x8x129xf32, #tpu.memory_space<vmem>>[vector<16xi32>, vector<16xi32>, vector<16xi32>, vector<16xi32>], vector<16xf32>,
        %add3A_313 = arith.constant 1 : i32
        %add3A_314 = vector.broadcast %add3A_313 : i32 to vector<16xi32>
        %add3A_315 = arith.addi %scan3A_296, %add3A_314 : vector<16xi32>
        %mul3A_316 = arith.constant 4 : i32
        %mul3A_317 = arith.muli %scan3A_295, %mul3A_316 : i32
        %add3A_318 = arith.constant 0 : i32
        %add3A_319 = arith.addi %add3A_318, %mul3A_317 : i32
        %add3A_320 = arith.constant 1 : i32
        %add3A_321 = arith.addi %add3A_319, %add3A_320 : i32
        %get3A_322 = arith.index_cast %add3A_321 : i32 to index
        %get3A_323 = arith.constant 0 : index
        %get3A_324 = tpu.vector_load %arg6[%get3A_322, %get3A_323] {strides = array<i32>} : memref<512x32xf32, #tpu.memory_space<vmem>>, vector<16xf32>,
        %get3A_325 = arith.index_cast %add3A_321 : i32 to index
        %get3A_326 = arith.constant 16 : index
        %get3A_327 = tpu.vector_load %arg6[%get3A_325, %get3A_326] {strides = array<i32>} : memref<512x32xf32, #tpu.memory_space<vmem>>, vector<16xf32>,
        %max3A_328 = arith.constant 0.000000e+00 : f32
        %max3A_329 = vector.broadcast %max3A_328 : f32 to vector<16xf32>
        %max3A_330 = arith.maximumf %get3A_324, %max3A_329 : vector<16xf32>
        tpu.vector_store_idx %arg8[%shift_right_logical3A_2, %broadcast_in_dim3A_78, %and3A_7, %add3A_315], %max3A_330 : memref<4x4x8x129xf32, #tpu.memory_space<vmem>>[vector<16xi32>, vector<16xi32>, vector<16xi32>, vector<16xi32>], vector<16xf32>,
        %max3A_331 = arith.constant 0.000000e+00 : f32
        %max3A_332 = vector.broadcast %max3A_331 : f32 to vector<16xf32>
        %max3A_333 = arith.maximumf %get3A_327, %max3A_332 : vector<16xf32>
        tpu.vector_store_idx %arg8[%add3A_5, %broadcast_in_dim3A_78, %and3A_7, %add3A_315], %max3A_333 : memref<4x4x8x129xf32, #tpu.memory_space<vmem>>[vector<16xi32>, vector<16xi32>, vector<16xi32>, vector<16xi32>], vector<16xf32>,
        %add3A_334 = arith.constant 1 : i32
        %add3A_335 = vector.broadcast %add3A_334 : i32 to vector<16xi32>
        %add3A_336 = arith.addi %add3A_315, %add3A_335 : vector<16xi32>
        %mul3A_337 = arith.constant 4 : i32
        %mul3A_338 = arith.muli %scan3A_295, %mul3A_337 : i32
        %add3A_339 = arith.constant 0 : i32
        %add3A_340 = arith.addi %add3A_339, %mul3A_338 : i32
        %add3A_341 = arith.constant 2 : i32
        %add3A_342 = arith.addi %add3A_340, %add3A_341 : i32
        %get3A_343 = arith.index_cast %add3A_342 : i32 to index
        %get3A_344 = arith.constant 0 : index
        %get3A_345 = tpu.vector_load %arg6[%get3A_343, %get3A_344] {strides = array<i32>} : memref<512x32xf32, #tpu.memory_space<vmem>>, vector<16xf32>,
        %get3A_346 = arith.index_cast %add3A_342 : i32 to index
        %get3A_347 = arith.constant 16 : index
        %get3A_348 = tpu.vector_load %arg6[%get3A_346, %get3A_347] {strides = array<i32>} : memref<512x32xf32, #tpu.memory_space<vmem>>, vector<16xf32>,
        %max3A_349 = arith.constant 0.000000e+00 : f32
        %max3A_350 = vector.broadcast %max3A_349 : f32 to vector<16xf32>
        %max3A_351 = arith.maximumf %get3A_345, %max3A_350 : vector<16xf32>
        tpu.vector_store_idx %arg8[%shift_right_logical3A_2, %broadcast_in_dim3A_78, %and3A_7, %add3A_336], %max3A_351 : memref<4x4x8x129xf32, #tpu.memory_space<vmem>>[vector<16xi32>, vector<16xi32>, vector<16xi32>, vector<16xi32>], vector<16xf32>,
        %max3A_352 = arith.constant 0.000000e+00 : f32
        %max3A_353 = vector.broadcast %max3A_352 : f32 to vector<16xf32>
        %max3A_354 = arith.maximumf %get3A_348, %max3A_353 : vector<16xf32>
        tpu.vector_store_idx %arg8[%add3A_5, %broadcast_in_dim3A_78, %and3A_7, %add3A_336], %max3A_354 : memref<4x4x8x129xf32, #tpu.memory_space<vmem>>[vector<16xi32>, vector<16xi32>, vector<16xi32>, vector<16xi32>], vector<16xf32>,
        %add3A_355 = arith.constant 1 : i32
        %add3A_356 = vector.broadcast %add3A_355 : i32 to vector<16xi32>
        %add3A_357 = arith.addi %add3A_336, %add3A_356 : vector<16xi32>
        %mul3A_358 = arith.constant 4 : i32
        %mul3A_359 = arith.muli %scan3A_295, %mul3A_358 : i32
        %add3A_360 = arith.constant 0 : i32
        %add3A_361 = arith.addi %add3A_360, %mul3A_359 : i32
        %add3A_362 = arith.constant 3 : i32
        %add3A_363 = arith.addi %add3A_361, %add3A_362 : i32
        %get3A_364 = arith.index_cast %add3A_363 : i32 to index
        %get3A_365 = arith.constant 0 : index
        %get3A_366 = tpu.vector_load %arg6[%get3A_364, %get3A_365] {strides = array<i32>} : memref<512x32xf32, #tpu.memory_space<vmem>>, vector<16xf32>,
        %get3A_367 = arith.index_cast %add3A_363 : i32 to index
        %get3A_368 = arith.constant 16 : index
        %get3A_369 = tpu.vector_load %arg6[%get3A_367, %get3A_368] {strides = array<i32>} : memref<512x32xf32, #tpu.memory_space<vmem>>, vector<16xf32>,
        %max3A_370 = arith.constant 0.000000e+00 : f32
        %max3A_371 = vector.broadcast %max3A_370 : f32 to vector<16xf32>
        %max3A_372 = arith.maximumf %get3A_366, %max3A_371 : vector<16xf32>
        tpu.vector_store_idx %arg8[%shift_right_logical3A_2, %broadcast_in_dim3A_78, %and3A_7, %add3A_357], %max3A_372 : memref<4x4x8x129xf32, #tpu.memory_space<vmem>>[vector<16xi32>, vector<16xi32>, vector<16xi32>, vector<16xi32>], vector<16xf32>,
        %max3A_373 = arith.constant 0.000000e+00 : f32
        %max3A_374 = vector.broadcast %max3A_373 : f32 to vector<16xf32>
        %max3A_375 = arith.maximumf %get3A_369, %max3A_374 : vector<16xf32>
        tpu.vector_store_idx %arg8[%add3A_5, %broadcast_in_dim3A_78, %and3A_7, %add3A_357], %max3A_375 : memref<4x4x8x129xf32, #tpu.memory_space<vmem>>[vector<16xi32>, vector<16xi32>, vector<16xi32>, vector<16xi32>], vector<16xf32>,
        %add3A_376 = arith.constant 1 : i32
        %add3A_377 = vector.broadcast %add3A_376 : i32 to vector<16xi32>
        %add3A_378 = arith.addi %add3A_357, %add3A_377 : vector<16xi32>
        scf.yield %add3A_378 : vector<16xi32>
      }
      %scan3A_86 = arith.constant 32 : i32
      %broadcast_in_dim3A_87 = arith.constant 1 : i32
      %broadcast_in_dim3A_88 = vector.broadcast %broadcast_in_dim3A_87 : i32 to vector<16xi32>
      %broadcast_in_dim3A_89 = arith.constant 0 : i32
      %broadcast_in_dim3A_90 = vector.broadcast %broadcast_in_dim3A_89 : i32 to vector<16xi32>
      %scan3A_91 = arith.constant 0 : i32
      %scan3A_92 = arith.constant 32 : i32
      %scan3A_93 = arith.addi %scan3A_91, %scan3A_92 : i32
      %scan3A_94 = arith.constant 1 : i32
      %scan3A_95 = scf.for %scan3A_295 = %scan3A_91 to %scan3A_93 step %scan3A_94 iter_args(%scan3A_296 = %broadcast_in_dim3A_90) -> (vector<16xi32>)  : i32 {
        %mul3A_297 = arith.constant 4 : i32
        %mul3A_298 = arith.muli %scan3A_295, %mul3A_297 : i32
        %add3A_299 = arith.constant 128 : i32
        %add3A_300 = arith.addi %add3A_299, %mul3A_298 : i32
        %add3A_301 = arith.constant 0 : i32
        %add3A_302 = arith.addi %add3A_300, %add3A_301 : i32
        %get3A = arith.index_cast %add3A_302 : i32 to index
        %get3A_303 = arith.constant 0 : index
        %get3A_304 = tpu.vector_load %arg6[%get3A, %get3A_303] {strides = array<i32>} : memref<512x32xf32, #tpu.memory_space<vmem>>, vector<16xf32>,
        %get3A_305 = arith.index_cast %add3A_302 : i32 to index
        %get3A_306 = arith.constant 16 : index
        %get3A_307 = tpu.vector_load %arg6[%get3A_305, %get3A_306] {strides = array<i32>} : memref<512x32xf32, #tpu.memory_space<vmem>>, vector<16xf32>,
        %max3A = arith.constant 0.000000e+00 : f32
        %max3A_308 = vector.broadcast %max3A : f32 to vector<16xf32>
        %max3A_309 = arith.maximumf %get3A_304, %max3A_308 : vector<16xf32>
        tpu.vector_store_idx %arg8[%shift_right_logical3A_2, %broadcast_in_dim3A_88, %and3A_7, %scan3A_296], %max3A_309 : memref<4x4x8x129xf32, #tpu.memory_space<vmem>>[vector<16xi32>, vector<16xi32>, vector<16xi32>, vector<16xi32>], vector<16xf32>,
        %max3A_310 = arith.constant 0.000000e+00 : f32
        %max3A_311 = vector.broadcast %max3A_310 : f32 to vector<16xf32>
        %max3A_312 = arith.maximumf %get3A_307, %max3A_311 : vector<16xf32>
        tpu.vector_store_idx %arg8[%add3A_5, %broadcast_in_dim3A_88, %and3A_7, %scan3A_296], %max3A_312 : memref<4x4x8x129xf32, #tpu.memory_space<vmem>>[vector<16xi32>, vector<16xi32>, vector<16xi32>, vector<16xi32>], vector<16xf32>,
        %add3A_313 = arith.constant 1 : i32
        %add3A_314 = vector.broadcast %add3A_313 : i32 to vector<16xi32>
        %add3A_315 = arith.addi %scan3A_296, %add3A_314 : vector<16xi32>
        %mul3A_316 = arith.constant 4 : i32
        %mul3A_317 = arith.muli %scan3A_295, %mul3A_316 : i32
        %add3A_318 = arith.constant 128 : i32
        %add3A_319 = arith.addi %add3A_318, %mul3A_317 : i32
        %add3A_320 = arith.constant 1 : i32
        %add3A_321 = arith.addi %add3A_319, %add3A_320 : i32
        %get3A_322 = arith.index_cast %add3A_321 : i32 to index
        %get3A_323 = arith.constant 0 : index
        %get3A_324 = tpu.vector_load %arg6[%get3A_322, %get3A_323] {strides = array<i32>} : memref<512x32xf32, #tpu.memory_space<vmem>>, vector<16xf32>,
        %get3A_325 = arith.index_cast %add3A_321 : i32 to index
        %get3A_326 = arith.constant 16 : index
        %get3A_327 = tpu.vector_load %arg6[%get3A_325, %get3A_326] {strides = array<i32>} : memref<512x32xf32, #tpu.memory_space<vmem>>, vector<16xf32>,
        %max3A_328 = arith.constant 0.000000e+00 : f32
        %max3A_329 = vector.broadcast %max3A_328 : f32 to vector<16xf32>
        %max3A_330 = arith.maximumf %get3A_324, %max3A_329 : vector<16xf32>
        tpu.vector_store_idx %arg8[%shift_right_logical3A_2, %broadcast_in_dim3A_88, %and3A_7, %add3A_315], %max3A_330 : memref<4x4x8x129xf32, #tpu.memory_space<vmem>>[vector<16xi32>, vector<16xi32>, vector<16xi32>, vector<16xi32>], vector<16xf32>,
        %max3A_331 = arith.constant 0.000000e+00 : f32
        %max3A_332 = vector.broadcast %max3A_331 : f32 to vector<16xf32>
        %max3A_333 = arith.maximumf %get3A_327, %max3A_332 : vector<16xf32>
        tpu.vector_store_idx %arg8[%add3A_5, %broadcast_in_dim3A_88, %and3A_7, %add3A_315], %max3A_333 : memref<4x4x8x129xf32, #tpu.memory_space<vmem>>[vector<16xi32>, vector<16xi32>, vector<16xi32>, vector<16xi32>], vector<16xf32>,
        %add3A_334 = arith.constant 1 : i32
        %add3A_335 = vector.broadcast %add3A_334 : i32 to vector<16xi32>
        %add3A_336 = arith.addi %add3A_315, %add3A_335 : vector<16xi32>
        %mul3A_337 = arith.constant 4 : i32
        %mul3A_338 = arith.muli %scan3A_295, %mul3A_337 : i32
        %add3A_339 = arith.constant 128 : i32
        %add3A_340 = arith.addi %add3A_339, %mul3A_338 : i32
        %add3A_341 = arith.constant 2 : i32
        %add3A_342 = arith.addi %add3A_340, %add3A_341 : i32
        %get3A_343 = arith.index_cast %add3A_342 : i32 to index
        %get3A_344 = arith.constant 0 : index
        %get3A_345 = tpu.vector_load %arg6[%get3A_343, %get3A_344] {strides = array<i32>} : memref<512x32xf32, #tpu.memory_space<vmem>>, vector<16xf32>,
        %get3A_346 = arith.index_cast %add3A_342 : i32 to index
        %get3A_347 = arith.constant 16 : index
        %get3A_348 = tpu.vector_load %arg6[%get3A_346, %get3A_347] {strides = array<i32>} : memref<512x32xf32, #tpu.memory_space<vmem>>, vector<16xf32>,
        %max3A_349 = arith.constant 0.000000e+00 : f32
        %max3A_350 = vector.broadcast %max3A_349 : f32 to vector<16xf32>
        %max3A_351 = arith.maximumf %get3A_345, %max3A_350 : vector<16xf32>
        tpu.vector_store_idx %arg8[%shift_right_logical3A_2, %broadcast_in_dim3A_88, %and3A_7, %add3A_336], %max3A_351 : memref<4x4x8x129xf32, #tpu.memory_space<vmem>>[vector<16xi32>, vector<16xi32>, vector<16xi32>, vector<16xi32>], vector<16xf32>,
        %max3A_352 = arith.constant 0.000000e+00 : f32
        %max3A_353 = vector.broadcast %max3A_352 : f32 to vector<16xf32>
        %max3A_354 = arith.maximumf %get3A_348, %max3A_353 : vector<16xf32>
        tpu.vector_store_idx %arg8[%add3A_5, %broadcast_in_dim3A_88, %and3A_7, %add3A_336], %max3A_354 : memref<4x4x8x129xf32, #tpu.memory_space<vmem>>[vector<16xi32>, vector<16xi32>, vector<16xi32>, vector<16xi32>], vector<16xf32>,
        %add3A_355 = arith.constant 1 : i32
        %add3A_356 = vector.broadcast %add3A_355 : i32 to vector<16xi32>
        %add3A_357 = arith.addi %add3A_336, %add3A_356 : vector<16xi32>
        %mul3A_358 = arith.constant 4 : i32
        %mul3A_359 = arith.muli %scan3A_295, %mul3A_358 : i32
        %add3A_360 = arith.constant 128 : i32
        %add3A_361 = arith.addi %add3A_360, %mul3A_359 : i32
        %add3A_362 = arith.constant 3 : i32
        %add3A_363 = arith.addi %add3A_361, %add3A_362 : i32
        %get3A_364 = arith.index_cast %add3A_363 : i32 to index
        %get3A_365 = arith.constant 0 : index
        %get3A_366 = tpu.vector_load %arg6[%get3A_364, %get3A_365] {strides = array<i32>} : memref<512x32xf32, #tpu.memory_space<vmem>>, vector<16xf32>,
        %get3A_367 = arith.index_cast %add3A_363 : i32 to index
        %get3A_368 = arith.constant 16 : index
        %get3A_369 = tpu.vector_load %arg6[%get3A_367, %get3A_368] {strides = array<i32>} : memref<512x32xf32, #tpu.memory_space<vmem>>, vector<16xf32>,
        %max3A_370 = arith.constant 0.000000e+00 : f32
        %max3A_371 = vector.broadcast %max3A_370 : f32 to vector<16xf32>
        %max3A_372 = arith.maximumf %get3A_366, %max3A_371 : vector<16xf32>
        tpu.vector_store_idx %arg8[%shift_right_logical3A_2, %broadcast_in_dim3A_88, %and3A_7, %add3A_357], %max3A_372 : memref<4x4x8x129xf32, #tpu.memory_space<vmem>>[vector<16xi32>, vector<16xi32>, vector<16xi32>, vector<16xi32>], vector<16xf32>,
        %max3A_373 = arith.constant 0.000000e+00 : f32
        %max3A_374 = vector.broadcast %max3A_373 : f32 to vector<16xf32>
        %max3A_375 = arith.maximumf %get3A_369, %max3A_374 : vector<16xf32>
        tpu.vector_store_idx %arg8[%add3A_5, %broadcast_in_dim3A_88, %and3A_7, %add3A_357], %max3A_375 : memref<4x4x8x129xf32, #tpu.memory_space<vmem>>[vector<16xi32>, vector<16xi32>, vector<16xi32>, vector<16xi32>], vector<16xf32>,
        %add3A_376 = arith.constant 1 : i32
        %add3A_377 = vector.broadcast %add3A_376 : i32 to vector<16xi32>
        %add3A_378 = arith.addi %add3A_357, %add3A_377 : vector<16xi32>
        scf.yield %add3A_378 : vector<16xi32>
      }
      %scan3A_96 = arith.constant 32 : i32
      %broadcast_in_dim3A_97 = arith.constant 2 : i32
      %broadcast_in_dim3A_98 = vector.broadcast %broadcast_in_dim3A_97 : i32 to vector<16xi32>
      %broadcast_in_dim3A_99 = arith.constant 0 : i32
      %broadcast_in_dim3A_100 = vector.broadcast %broadcast_in_dim3A_99 : i32 to vector<16xi32>
      %scan3A_101 = arith.constant 0 : i32
      %scan3A_102 = arith.constant 32 : i32
      %scan3A_103 = arith.addi %scan3A_101, %scan3A_102 : i32
      %scan3A_104 = arith.constant 1 : i32
      %scan3A_105 = scf.for %scan3A_295 = %scan3A_101 to %scan3A_103 step %scan3A_104 iter_args(%scan3A_296 = %broadcast_in_dim3A_100) -> (vector<16xi32>)  : i32 {
        %mul3A_297 = arith.constant 4 : i32
        %mul3A_298 = arith.muli %scan3A_295, %mul3A_297 : i32
        %add3A_299 = arith.constant 256 : i32
        %add3A_300 = arith.addi %add3A_299, %mul3A_298 : i32
        %add3A_301 = arith.constant 0 : i32
        %add3A_302 = arith.addi %add3A_300, %add3A_301 : i32
        %get3A = arith.index_cast %add3A_302 : i32 to index
        %get3A_303 = arith.constant 0 : index
        %get3A_304 = tpu.vector_load %arg6[%get3A, %get3A_303] {strides = array<i32>} : memref<512x32xf32, #tpu.memory_space<vmem>>, vector<16xf32>,
        %get3A_305 = arith.index_cast %add3A_302 : i32 to index
        %get3A_306 = arith.constant 16 : index
        %get3A_307 = tpu.vector_load %arg6[%get3A_305, %get3A_306] {strides = array<i32>} : memref<512x32xf32, #tpu.memory_space<vmem>>, vector<16xf32>,
        %max3A = arith.constant 0.000000e+00 : f32
        %max3A_308 = vector.broadcast %max3A : f32 to vector<16xf32>
        %max3A_309 = arith.maximumf %get3A_304, %max3A_308 : vector<16xf32>
        tpu.vector_store_idx %arg8[%shift_right_logical3A_2, %broadcast_in_dim3A_98, %and3A_7, %scan3A_296], %max3A_309 : memref<4x4x8x129xf32, #tpu.memory_space<vmem>>[vector<16xi32>, vector<16xi32>, vector<16xi32>, vector<16xi32>], vector<16xf32>,
        %max3A_310 = arith.constant 0.000000e+00 : f32
        %max3A_311 = vector.broadcast %max3A_310 : f32 to vector<16xf32>
        %max3A_312 = arith.maximumf %get3A_307, %max3A_311 : vector<16xf32>
        tpu.vector_store_idx %arg8[%add3A_5, %broadcast_in_dim3A_98, %and3A_7, %scan3A_296], %max3A_312 : memref<4x4x8x129xf32, #tpu.memory_space<vmem>>[vector<16xi32>, vector<16xi32>, vector<16xi32>, vector<16xi32>], vector<16xf32>,
        %add3A_313 = arith.constant 1 : i32
        %add3A_314 = vector.broadcast %add3A_313 : i32 to vector<16xi32>
        %add3A_315 = arith.addi %scan3A_296, %add3A_314 : vector<16xi32>
        %mul3A_316 = arith.constant 4 : i32
        %mul3A_317 = arith.muli %scan3A_295, %mul3A_316 : i32
        %add3A_318 = arith.constant 256 : i32
        %add3A_319 = arith.addi %add3A_318, %mul3A_317 : i32
        %add3A_320 = arith.constant 1 : i32
        %add3A_321 = arith.addi %add3A_319, %add3A_320 : i32
        %get3A_322 = arith.index_cast %add3A_321 : i32 to index
        %get3A_323 = arith.constant 0 : index
        %get3A_324 = tpu.vector_load %arg6[%get3A_322, %get3A_323] {strides = array<i32>} : memref<512x32xf32, #tpu.memory_space<vmem>>, vector<16xf32>,
        %get3A_325 = arith.index_cast %add3A_321 : i32 to index
        %get3A_326 = arith.constant 16 : index
        %get3A_327 = tpu.vector_load %arg6[%get3A_325, %get3A_326] {strides = array<i32>} : memref<512x32xf32, #tpu.memory_space<vmem>>, vector<16xf32>,
        %max3A_328 = arith.constant 0.000000e+00 : f32
        %max3A_329 = vector.broadcast %max3A_328 : f32 to vector<16xf32>
        %max3A_330 = arith.maximumf %get3A_324, %max3A_329 : vector<16xf32>
        tpu.vector_store_idx %arg8[%shift_right_logical3A_2, %broadcast_in_dim3A_98, %and3A_7, %add3A_315], %max3A_330 : memref<4x4x8x129xf32, #tpu.memory_space<vmem>>[vector<16xi32>, vector<16xi32>, vector<16xi32>, vector<16xi32>], vector<16xf32>,
        %max3A_331 = arith.constant 0.000000e+00 : f32
        %max3A_332 = vector.broadcast %max3A_331 : f32 to vector<16xf32>
        %max3A_333 = arith.maximumf %get3A_327, %max3A_332 : vector<16xf32>
        tpu.vector_store_idx %arg8[%add3A_5, %broadcast_in_dim3A_98, %and3A_7, %add3A_315], %max3A_333 : memref<4x4x8x129xf32, #tpu.memory_space<vmem>>[vector<16xi32>, vector<16xi32>, vector<16xi32>, vector<16xi32>], vector<16xf32>,
        %add3A_334 = arith.constant 1 : i32
        %add3A_335 = vector.broadcast %add3A_334 : i32 to vector<16xi32>
        %add3A_336 = arith.addi %add3A_315, %add3A_335 : vector<16xi32>
        %mul3A_337 = arith.constant 4 : i32
        %mul3A_338 = arith.muli %scan3A_295, %mul3A_337 : i32
        %add3A_339 = arith.constant 256 : i32
        %add3A_340 = arith.addi %add3A_339, %mul3A_338 : i32
        %add3A_341 = arith.constant 2 : i32
        %add3A_342 = arith.addi %add3A_340, %add3A_341 : i32
        %get3A_343 = arith.index_cast %add3A_342 : i32 to index
        %get3A_344 = arith.constant 0 : index
        %get3A_345 = tpu.vector_load %arg6[%get3A_343, %get3A_344] {strides = array<i32>} : memref<512x32xf32, #tpu.memory_space<vmem>>, vector<16xf32>,
        %get3A_346 = arith.index_cast %add3A_342 : i32 to index
        %get3A_347 = arith.constant 16 : index
        %get3A_348 = tpu.vector_load %arg6[%get3A_346, %get3A_347] {strides = array<i32>} : memref<512x32xf32, #tpu.memory_space<vmem>>, vector<16xf32>,
        %max3A_349 = arith.constant 0.000000e+00 : f32
        %max3A_350 = vector.broadcast %max3A_349 : f32 to vector<16xf32>
        %max3A_351 = arith.maximumf %get3A_345, %max3A_350 : vector<16xf32>
        tpu.vector_store_idx %arg8[%shift_right_logical3A_2, %broadcast_in_dim3A_98, %and3A_7, %add3A_336], %max3A_351 : memref<4x4x8x129xf32, #tpu.memory_space<vmem>>[vector<16xi32>, vector<16xi32>, vector<16xi32>, vector<16xi32>], vector<16xf32>,
        %max3A_352 = arith.constant 0.000000e+00 : f32
        %max3A_353 = vector.broadcast %max3A_352 : f32 to vector<16xf32>
        %max3A_354 = arith.maximumf %get3A_348, %max3A_353 : vector<16xf32>
        tpu.vector_store_idx %arg8[%add3A_5, %broadcast_in_dim3A_98, %and3A_7, %add3A_336], %max3A_354 : memref<4x4x8x129xf32, #tpu.memory_space<vmem>>[vector<16xi32>, vector<16xi32>, vector<16xi32>, vector<16xi32>], vector<16xf32>,
        %add3A_355 = arith.constant 1 : i32
        %add3A_356 = vector.broadcast %add3A_355 : i32 to vector<16xi32>
        %add3A_357 = arith.addi %add3A_336, %add3A_356 : vector<16xi32>
        %mul3A_358 = arith.constant 4 : i32
        %mul3A_359 = arith.muli %scan3A_295, %mul3A_358 : i32
        %add3A_360 = arith.constant 256 : i32
        %add3A_361 = arith.addi %add3A_360, %mul3A_359 : i32
        %add3A_362 = arith.constant 3 : i32
        %add3A_363 = arith.addi %add3A_361, %add3A_362 : i32
        %get3A_364 = arith.index_cast %add3A_363 : i32 to index
        %get3A_365 = arith.constant 0 : index
        %get3A_366 = tpu.vector_load %arg6[%get3A_364, %get3A_365] {strides = array<i32>} : memref<512x32xf32, #tpu.memory_space<vmem>>, vector<16xf32>,
        %get3A_367 = arith.index_cast %add3A_363 : i32 to index
        %get3A_368 = arith.constant 16 : index
        %get3A_369 = tpu.vector_load %arg6[%get3A_367, %get3A_368] {strides = array<i32>} : memref<512x32xf32, #tpu.memory_space<vmem>>, vector<16xf32>,
        %max3A_370 = arith.constant 0.000000e+00 : f32
        %max3A_371 = vector.broadcast %max3A_370 : f32 to vector<16xf32>
        %max3A_372 = arith.maximumf %get3A_366, %max3A_371 : vector<16xf32>
        tpu.vector_store_idx %arg8[%shift_right_logical3A_2, %broadcast_in_dim3A_98, %and3A_7, %add3A_357], %max3A_372 : memref<4x4x8x129xf32, #tpu.memory_space<vmem>>[vector<16xi32>, vector<16xi32>, vector<16xi32>, vector<16xi32>], vector<16xf32>,
        %max3A_373 = arith.constant 0.000000e+00 : f32
        %max3A_374 = vector.broadcast %max3A_373 : f32 to vector<16xf32>
        %max3A_375 = arith.maximumf %get3A_369, %max3A_374 : vector<16xf32>
        tpu.vector_store_idx %arg8[%add3A_5, %broadcast_in_dim3A_98, %and3A_7, %add3A_357], %max3A_375 : memref<4x4x8x129xf32, #tpu.memory_space<vmem>>[vector<16xi32>, vector<16xi32>, vector<16xi32>, vector<16xi32>], vector<16xf32>,
        %add3A_376 = arith.constant 1 : i32
        %add3A_377 = vector.broadcast %add3A_376 : i32 to vector<16xi32>
        %add3A_378 = arith.addi %add3A_357, %add3A_377 : vector<16xi32>
        scf.yield %add3A_378 : vector<16xi32>
      }
      %scan3A_106 = arith.constant 32 : i32
      %broadcast_in_dim3A_107 = arith.constant 3 : i32
      %broadcast_in_dim3A_108 = vector.broadcast %broadcast_in_dim3A_107 : i32 to vector<16xi32>
      %broadcast_in_dim3A_109 = arith.constant 0 : i32
      %broadcast_in_dim3A_110 = vector.broadcast %broadcast_in_dim3A_109 : i32 to vector<16xi32>
      %scan3A_111 = arith.constant 0 : i32
      %scan3A_112 = arith.constant 32 : i32
      %scan3A_113 = arith.addi %scan3A_111, %scan3A_112 : i32
      %scan3A_114 = arith.constant 1 : i32
      %scan3A_115 = scf.for %scan3A_295 = %scan3A_111 to %scan3A_113 step %scan3A_114 iter_args(%scan3A_296 = %broadcast_in_dim3A_110) -> (vector<16xi32>)  : i32 {
        %mul3A_297 = arith.constant 4 : i32
        %mul3A_298 = arith.muli %scan3A_295, %mul3A_297 : i32
        %add3A_299 = arith.constant 384 : i32
        %add3A_300 = arith.addi %add3A_299, %mul3A_298 : i32
        %add3A_301 = arith.constant 0 : i32
        %add3A_302 = arith.addi %add3A_300, %add3A_301 : i32
        %get3A = arith.index_cast %add3A_302 : i32 to index
        %get3A_303 = arith.constant 0 : index
        %get3A_304 = tpu.vector_load %arg6[%get3A, %get3A_303] {strides = array<i32>} : memref<512x32xf32, #tpu.memory_space<vmem>>, vector<16xf32>,
        %get3A_305 = arith.index_cast %add3A_302 : i32 to index
        %get3A_306 = arith.constant 16 : index
        %get3A_307 = tpu.vector_load %arg6[%get3A_305, %get3A_306] {strides = array<i32>} : memref<512x32xf32, #tpu.memory_space<vmem>>, vector<16xf32>,
        %max3A = arith.constant 0.000000e+00 : f32
        %max3A_308 = vector.broadcast %max3A : f32 to vector<16xf32>
        %max3A_309 = arith.maximumf %get3A_304, %max3A_308 : vector<16xf32>
        tpu.vector_store_idx %arg8[%shift_right_logical3A_2, %broadcast_in_dim3A_108, %and3A_7, %scan3A_296], %max3A_309 : memref<4x4x8x129xf32, #tpu.memory_space<vmem>>[vector<16xi32>, vector<16xi32>, vector<16xi32>, vector<16xi32>], vector<16xf32>,
        %max3A_310 = arith.constant 0.000000e+00 : f32
        %max3A_311 = vector.broadcast %max3A_310 : f32 to vector<16xf32>
        %max3A_312 = arith.maximumf %get3A_307, %max3A_311 : vector<16xf32>
        tpu.vector_store_idx %arg8[%add3A_5, %broadcast_in_dim3A_108, %and3A_7, %scan3A_296], %max3A_312 : memref<4x4x8x129xf32, #tpu.memory_space<vmem>>[vector<16xi32>, vector<16xi32>, vector<16xi32>, vector<16xi32>], vector<16xf32>,
        %add3A_313 = arith.constant 1 : i32
        %add3A_314 = vector.broadcast %add3A_313 : i32 to vector<16xi32>
        %add3A_315 = arith.addi %scan3A_296, %add3A_314 : vector<16xi32>
        %mul3A_316 = arith.constant 4 : i32
        %mul3A_317 = arith.muli %scan3A_295, %mul3A_316 : i32
        %add3A_318 = arith.constant 384 : i32
        %add3A_319 = arith.addi %add3A_318, %mul3A_317 : i32
        %add3A_320 = arith.constant 1 : i32
        %add3A_321 = arith.addi %add3A_319, %add3A_320 : i32
        %get3A_322 = arith.index_cast %add3A_321 : i32 to index
        %get3A_323 = arith.constant 0 : index
        %get3A_324 = tpu.vector_load %arg6[%get3A_322, %get3A_323] {strides = array<i32>} : memref<512x32xf32, #tpu.memory_space<vmem>>, vector<16xf32>,
        %get3A_325 = arith.index_cast %add3A_321 : i32 to index
        %get3A_326 = arith.constant 16 : index
        %get3A_327 = tpu.vector_load %arg6[%get3A_325, %get3A_326] {strides = array<i32>} : memref<512x32xf32, #tpu.memory_space<vmem>>, vector<16xf32>,
        %max3A_328 = arith.constant 0.000000e+00 : f32
        %max3A_329 = vector.broadcast %max3A_328 : f32 to vector<16xf32>
        %max3A_330 = arith.maximumf %get3A_324, %max3A_329 : vector<16xf32>
        tpu.vector_store_idx %arg8[%shift_right_logical3A_2, %broadcast_in_dim3A_108, %and3A_7, %add3A_315], %max3A_330 : memref<4x4x8x129xf32, #tpu.memory_space<vmem>>[vector<16xi32>, vector<16xi32>, vector<16xi32>, vector<16xi32>], vector<16xf32>,
        %max3A_331 = arith.constant 0.000000e+00 : f32
        %max3A_332 = vector.broadcast %max3A_331 : f32 to vector<16xf32>
        %max3A_333 = arith.maximumf %get3A_327, %max3A_332 : vector<16xf32>
        tpu.vector_store_idx %arg8[%add3A_5, %broadcast_in_dim3A_108, %and3A_7, %add3A_315], %max3A_333 : memref<4x4x8x129xf32, #tpu.memory_space<vmem>>[vector<16xi32>, vector<16xi32>, vector<16xi32>, vector<16xi32>], vector<16xf32>,
        %add3A_334 = arith.constant 1 : i32
        %add3A_335 = vector.broadcast %add3A_334 : i32 to vector<16xi32>
        %add3A_336 = arith.addi %add3A_315, %add3A_335 : vector<16xi32>
        %mul3A_337 = arith.constant 4 : i32
        %mul3A_338 = arith.muli %scan3A_295, %mul3A_337 : i32
        %add3A_339 = arith.constant 384 : i32
        %add3A_340 = arith.addi %add3A_339, %mul3A_338 : i32
        %add3A_341 = arith.constant 2 : i32
        %add3A_342 = arith.addi %add3A_340, %add3A_341 : i32
        %get3A_343 = arith.index_cast %add3A_342 : i32 to index
        %get3A_344 = arith.constant 0 : index
        %get3A_345 = tpu.vector_load %arg6[%get3A_343, %get3A_344] {strides = array<i32>} : memref<512x32xf32, #tpu.memory_space<vmem>>, vector<16xf32>,
        %get3A_346 = arith.index_cast %add3A_342 : i32 to index
        %get3A_347 = arith.constant 16 : index
        %get3A_348 = tpu.vector_load %arg6[%get3A_346, %get3A_347] {strides = array<i32>} : memref<512x32xf32, #tpu.memory_space<vmem>>, vector<16xf32>,
        %max3A_349 = arith.constant 0.000000e+00 : f32
        %max3A_350 = vector.broadcast %max3A_349 : f32 to vector<16xf32>
        %max3A_351 = arith.maximumf %get3A_345, %max3A_350 : vector<16xf32>
        tpu.vector_store_idx %arg8[%shift_right_logical3A_2, %broadcast_in_dim3A_108, %and3A_7, %add3A_336], %max3A_351 : memref<4x4x8x129xf32, #tpu.memory_space<vmem>>[vector<16xi32>, vector<16xi32>, vector<16xi32>, vector<16xi32>], vector<16xf32>,
        %max3A_352 = arith.constant 0.000000e+00 : f32
        %max3A_353 = vector.broadcast %max3A_352 : f32 to vector<16xf32>
        %max3A_354 = arith.maximumf %get3A_348, %max3A_353 : vector<16xf32>
        tpu.vector_store_idx %arg8[%add3A_5, %broadcast_in_dim3A_108, %and3A_7, %add3A_336], %max3A_354 : memref<4x4x8x129xf32, #tpu.memory_space<vmem>>[vector<16xi32>, vector<16xi32>, vector<16xi32>, vector<16xi32>], vector<16xf32>,
        %add3A_355 = arith.constant 1 : i32
        %add3A_356 = vector.broadcast %add3A_355 : i32 to vector<16xi32>
        %add3A_357 = arith.addi %add3A_336, %add3A_356 : vector<16xi32>
        %mul3A_358 = arith.constant 4 : i32
        %mul3A_359 = arith.muli %scan3A_295, %mul3A_358 : i32
        %add3A_360 = arith.constant 384 : i32
        %add3A_361 = arith.addi %add3A_360, %mul3A_359 : i32
        %add3A_362 = arith.constant 3 : i32
        %add3A_363 = arith.addi %add3A_361, %add3A_362 : i32
        %get3A_364 = arith.index_cast %add3A_363 : i32 to index
        %get3A_365 = arith.constant 0 : index
        %get3A_366 = tpu.vector_load %arg6[%get3A_364, %get3A_365] {strides = array<i32>} : memref<512x32xf32, #tpu.memory_space<vmem>>, vector<16xf32>,
        %get3A_367 = arith.index_cast %add3A_363 : i32 to index
        %get3A_368 = arith.constant 16 : index
        %get3A_369 = tpu.vector_load %arg6[%get3A_367, %get3A_368] {strides = array<i32>} : memref<512x32xf32, #tpu.memory_space<vmem>>, vector<16xf32>,
        %max3A_370 = arith.constant 0.000000e+00 : f32
        %max3A_371 = vector.broadcast %max3A_370 : f32 to vector<16xf32>
        %max3A_372 = arith.maximumf %get3A_366, %max3A_371 : vector<16xf32>
        tpu.vector_store_idx %arg8[%shift_right_logical3A_2, %broadcast_in_dim3A_108, %and3A_7, %add3A_357], %max3A_372 : memref<4x4x8x129xf32, #tpu.memory_space<vmem>>[vector<16xi32>, vector<16xi32>, vector<16xi32>, vector<16xi32>], vector<16xf32>,
        %max3A_373 = arith.constant 0.000000e+00 : f32
        %max3A_374 = vector.broadcast %max3A_373 : f32 to vector<16xf32>
        %max3A_375 = arith.maximumf %get3A_369, %max3A_374 : vector<16xf32>
        tpu.vector_store_idx %arg8[%add3A_5, %broadcast_in_dim3A_108, %and3A_7, %add3A_357], %max3A_375 : memref<4x4x8x129xf32, #tpu.memory_space<vmem>>[vector<16xi32>, vector<16xi32>, vector<16xi32>, vector<16xi32>], vector<16xf32>,
        %add3A_376 = arith.constant 1 : i32
        %add3A_377 = vector.broadcast %add3A_376 : i32 to vector<16xi32>
        %add3A_378 = arith.addi %add3A_357, %add3A_377 : vector<16xi32>
        scf.yield %add3A_378 : vector<16xi32>
      }
      %scan3A_116 = arith.constant 32 : i32
      %mul3A_117 = arith.constant 50 : i32
      %mul3A_118 = arith.muli %add3A, %mul3A_117 : i32
      %add3A_119 = arith.addi %mul3A_118, %add3A_68 : i32
      %jit3A = arith.constant 32 : i32
      %div3A = arith.divsi %add3A_119, %jit3A : i32
      %sign3A = arith.constant 0 : i32
      %sign3A_120 = arith.cmpi sgt, %add3A_119, %sign3A : i32
      %sign3A_121 = arith.extui %sign3A_120 : i1 to i32
      %sign3A_122 = arith.constant 0 : i32
      %sign3A_123 = arith.cmpi slt, %add3A_119, %sign3A_122 : i32
      %sign3A_124 = arith.extui %sign3A_123 : i1 to i32
      %sign3A_125 = arith.subi %sign3A_121, %sign3A_124 : i32
      %sign3A_126 = arith.constant 0 : i32
      %sign3A_127 = arith.cmpi sgt, %jit3A, %sign3A_126 : i32
      %sign3A_128 = arith.extui %sign3A_127 : i1 to i32
      %sign3A_129 = arith.constant 0 : i32
      %sign3A_130 = arith.cmpi slt, %jit3A, %sign3A_129 : i32
      %sign3A_131 = arith.extui %sign3A_130 : i1 to i32
      %sign3A_132 = arith.subi %sign3A_128, %sign3A_131 : i32
      %ne3A = arith.cmpi ne, %sign3A_125, %sign3A_132 : i32
      %rem3A = arith.remsi %add3A_119, %jit3A : i32
      %ne3A_133 = arith.constant 0 : i32
      %ne3A_134 = arith.cmpi ne, %rem3A, %ne3A_133 : i32
      %and3A_135 = arith.andi %ne3A, %ne3A_134 : i1
      %sub3A = arith.constant 1 : i32
      %sub3A_136 = arith.subi %div3A, %sub3A : i32
      %select_n3A = arith.select %and3A_135, %sub3A_136, %div3A : i32
      %jit3A_137 = arith.constant 32 : i32
      %eq3A = arith.constant 0 : i32
      %eq3A_138 = arith.cmpi eq, %jit3A_137, %eq3A : i32
      %jit3A_139 = arith.constant 1 : i32
      %select_n3A_140 = arith.select %eq3A_138, %jit3A_139, %jit3A_137 : i32
      %rem3A_141 = arith.remsi %add3A_119, %select_n3A_140 : i32
      %ne3A_142 = arith.constant 0 : i32
      %ne3A_143 = arith.cmpi ne, %rem3A_141, %ne3A_142 : i32
      %lt3A_144 = arith.constant 0 : i32
      %lt3A_145 = arith.cmpi slt, %rem3A_141, %lt3A_144 : i32
      %lt3A_146 = arith.constant 0 : i32
      %lt3A_147 = arith.cmpi slt, %select_n3A_140, %lt3A_146 : i32
      %ne3A_148 = arith.xori %lt3A_145, %lt3A_147 : i1
      %and3A_149 = arith.andi %ne3A_148, %ne3A_143 : i1
      %add3A_150 = arith.addi %rem3A_141, %select_n3A_140 : i32
      %select_n3A_151 = arith.select %and3A_149, %add3A_150, %rem3A_141 : i32
      %mul3A_152 = arith.constant 4 : i32
      %mul3A_153 = arith.muli %select_n3A_151, %mul3A_152 : i32
      %dma_start3A_154 = arith.constant 0 : i32
      %dma_start3A_155 = arith.constant 0 : i32
      %dma_start3A_156 = arith.constant 0 : i32
      %dma_start3A_157 = arith.constant 0 : i32
      %dma_start3A_158 = tpu.memref_slice %arg8[%dma_start3A_154, %dma_start3A_155, %dma_start3A_156, %dma_start3A_157] : memref<4x4x8x129xf32, #tpu.memory_space<vmem>> -> memref<4x4x8x128xf32, #tpu.memory_space<vmem>>
      %dma_start3A_159 = arith.constant 0 : i32
      %dma_start3A_160 = arith.constant 0 : i32
      %dma_start3A_161 = arith.constant 0 : i32
      %dma_start3A_162 = tpu.memref_slice %arg4[%select_n3A, %dma_start3A_159, %mul3A_153, %dma_start3A_160, %dma_start3A_161] : memref<50x4x128x8x128xf32, #tpu.memory_space<hbm>> -> memref<1x4x4x8x128xf32, #tpu.memory_space<hbm>>
      %dma_start3A_163 = tpu.memref_squeeze %dma_start3A_162 : memref<1x4x4x8x128xf32, #tpu.memory_space<hbm>> -> memref<4x4x8x128xf32, #tpu.memory_space<hbm>>
      %dma_start3A_164 = arith.constant 0 : i32
      %dma_start3A_165 = arith.constant 0 : i32
      %dma_start3A_166 = arith.constant 0 : i32
      %dma_start3A_167 = tpu.memref_slice %arg4[%select_n3A, %dma_start3A_164, %mul3A_153, %dma_start3A_165, %dma_start3A_166] : memref<50x4x128x8x128xf32, #tpu.memory_space<hbm>> -> memref<1x4x4x8x128xf32, #tpu.memory_space<hbm>>
      %dma_start3A_168 = tpu.memref_squeeze %dma_start3A_167 : memref<1x4x4x8x128xf32, #tpu.memory_space<hbm>> -> memref<4x4x8x128xf32, #tpu.memory_space<hbm>>
      %dma_start3A_169 = arith.constant 0 : i32
      %dma_start3A_170 = arith.constant 0 : i32
      %dma_start3A_171 = arith.constant 0 : i32
      %dma_start3A_172 = arith.constant 0 : i32
      %dma_start3A_173 = tpu.memref_slice %arg8[%dma_start3A_169, %dma_start3A_170, %dma_start3A_171, %dma_start3A_172] : memref<4x4x8x129xf32, #tpu.memory_space<vmem>> -> memref<4x4x8x128xf32, #tpu.memory_space<vmem>>
      tpu.enqueue_dma source(%dma_start3A_173 : memref<4x4x8x128xf32, #tpu.memory_space<vmem>>) target(%dma_start3A_168 : memref<4x4x8x128xf32, #tpu.memory_space<hbm>>) target_semaphore(%arg12 : memref<!tpu.dma_semaphore, #tpu.memory_space<semaphore_mem>>)
      %mul3A_174 = arith.constant 2 : i32
      %mul3A_175 = arith.muli %scan3A_64, %mul3A_174 : i32
      %add3A_176 = arith.constant 1 : i32
      %add3A_177 = arith.addi %mul3A_175, %add3A_176 : i32
      %add3A_178 = arith.constant 1 : i32
      %add3A_179 = arith.addi %add3A_177, %add3A_178 : i32
      %lt3A_180 = arith.constant 50 : i32
      %lt3A_181 = arith.cmpi slt, %add3A_179, %lt3A_180 : i32
      %convert_element_type3A_182 = arith.extui %lt3A_181 : i1 to i32
      %cond3A_183 = arith.constant 0 : i32
      %cond3A_184 = arith.cmpi ne, %convert_element_type3A_182, %cond3A_183 : i32
      scf.if %cond3A_184 {
        %ge3A = arith.constant 1 : i32
        %ge3A_295 = arith.cmpi sge, %add3A_177, %ge3A : i32
        %convert_element_type3A_296 = arith.extui %ge3A_295 : i1 to i32
        %cond3A_297 = arith.constant 0 : i32
        %cond3A_298 = arith.cmpi ne, %convert_element_type3A_296, %cond3A_297 : i32
        scf.if %cond3A_298 {
          %dma_wait3A_307 = arith.constant 0 : i32
          %dma_wait3A_308 = arith.constant 0 : i32
          %dma_wait3A_309 = arith.constant 0 : i32
          %dma_wait3A_310 = arith.constant 0 : i32
          %dma_wait3A_311 = arith.constant 0 : i32
          %dma_wait3A_312 = tpu.memref_slice %arg8[%dma_wait3A_308, %dma_wait3A_309, %dma_wait3A_310, %dma_wait3A_311] : memref<4x4x8x129xf32, #tpu.memory_space<vmem>> -> memref<4x4x8x128xf32, #tpu.memory_space<vmem>>
          %dma_wait3A_313 = arith.constant 0 : i32
          %dma_wait3A_314 = arith.constant 0 : i32
          %dma_wait3A_315 = arith.constant 0 : i32
          %dma_wait3A_316 = arith.constant 0 : i32
          %dma_wait3A_317 = tpu.memref_slice %arg4[%dma_wait3A_307, %dma_wait3A_313, %dma_wait3A_314, %dma_wait3A_315, %dma_wait3A_316] : memref<50x4x128x8x128xf32, #tpu.memory_space<hbm>> -> memref<1x4x4x8x128xf32, #tpu.memory_space<hbm>>
          %dma_wait3A_318 = tpu.memref_squeeze %dma_wait3A_317 : memref<1x4x4x8x128xf32, #tpu.memory_space<hbm>> -> memref<4x4x8x128xf32, #tpu.memory_space<hbm>>
          %dma_wait3A_319 = arith.constant 0 : i32
          %dma_wait3A_320 = arith.constant 0 : i32
          %dma_wait3A_321 = arith.constant 0 : i32
          %dma_wait3A_322 = arith.constant 0 : i32
          %dma_wait3A_323 = tpu.memref_slice %arg4[%dma_wait3A_307, %dma_wait3A_319, %dma_wait3A_320, %dma_wait3A_321, %dma_wait3A_322] : memref<50x4x128x8x128xf32, #tpu.memory_space<hbm>> -> memref<1x4x4x8x128xf32, #tpu.memory_space<hbm>>
          %dma_wait3A_324 = tpu.memref_squeeze %dma_wait3A_323 : memref<1x4x4x8x128xf32, #tpu.memory_space<hbm>> -> memref<4x4x8x128xf32, #tpu.memory_space<hbm>>
          %dma_wait3A_325 = arith.constant 0 : i32
          %dma_wait3A_326 = arith.constant 0 : i32
          %dma_wait3A_327 = arith.constant 0 : i32
          %dma_wait3A_328 = arith.constant 0 : i32
          %dma_wait3A_329 = tpu.memref_slice %arg8[%dma_wait3A_325, %dma_wait3A_326, %dma_wait3A_327, %dma_wait3A_328] : memref<4x4x8x129xf32, #tpu.memory_space<vmem>> -> memref<4x4x8x128xf32, #tpu.memory_space<vmem>>
          tpu.wait_dma2 semaphore(%arg12 : memref<!tpu.dma_semaphore, #tpu.memory_space<semaphore_mem>>) src(%dma_wait3A_329 : memref<4x4x8x128xf32, #tpu.memory_space<vmem>>) dst(%dma_wait3A_324 : memref<4x4x8x128xf32, #tpu.memory_space<hbm>>)
        } else {
        }
        %add3A_299 = arith.constant 1 : i32
        %add3A_300 = arith.addi %add3A_177, %add3A_299 : i32
        %mul3A_301 = arith.constant 512 : i32
        %mul3A_302 = arith.muli %add3A_300, %mul3A_301 : i32
        %dma_start3A_303 = tpu.memref_slice %arg5[%mul3A_302] : memref<25600xi32, #tpu.memory_space<vmem>> -> memref<512xi32, #tpu.memory_space<vmem>>
        %dma_start3A_304 = arith.constant 0 : i32
        %dma_start3A_305 = arith.constant 0 : i32
        %dma_start3A_306 = tpu.memref_slice %arg3[%dma_start3A_304, %dma_start3A_305] : memref<1000000x32xf32, #tpu.memory_space<hbm>> -> memref<1000000x32xf32, #tpu.memory_space<hbm>>
        tpu.enqueue_indirect_dma source(%dma_start3A_306 : memref<1000000x32xf32, #tpu.memory_space<hbm>>) target(%arg6 : memref<512x32xf32, #tpu.memory_space<vmem>>) offsets(%dma_start3A_303 : memref<512xi32, #tpu.memory_space<vmem>>) semaphore(%arg10 : memref<!tpu.dma_semaphore, #tpu.memory_space<semaphore_mem>>)
      } else {
      }
      %dma_wait3A_185 = arith.constant 0 : i32
      %dma_wait3A_186 = tpu.memref_slice %arg5[%dma_wait3A_185] : memref<25600xi32, #tpu.memory_space<vmem>> -> memref<512xi32, #tpu.memory_space<vmem>>
      %dma_wait3A_187 = arith.constant 0 : i32
      %dma_wait3A_188 = arith.constant 0 : i32
      %dma_wait3A_189 = tpu.memref_slice %arg3[%dma_wait3A_187, %dma_wait3A_188] : memref<1000000x32xf32, #tpu.memory_space<hbm>> -> memref<1000000x32xf32, #tpu.memory_space<hbm>>
      tpu.wait_indirect_dma semaphore(%arg11 : memref<!tpu.dma_semaphore, #tpu.memory_space<semaphore_mem>>) src(%dma_wait3A_189 : memref<1000000x32xf32, #tpu.memory_space<hbm>>) dst(%arg7 : memref<512x32xf32, #tpu.memory_space<vmem>>)
      %broadcast_in_dim3A_190 = arith.constant 0 : i32
      %broadcast_in_dim3A_191 = vector.broadcast %broadcast_in_dim3A_190 : i32 to vector<16xi32>
      %broadcast_in_dim3A_192 = arith.constant 0 : i32
      %broadcast_in_dim3A_193 = vector.broadcast %broadcast_in_dim3A_192 : i32 to vector<16xi32>
      %scan3A_194 = arith.constant 0 : i32
      %scan3A_195 = arith.constant 32 : i32
      %scan3A_196 = arith.addi %scan3A_194, %scan3A_195 : i32
      %scan3A_197 = arith.constant 1 : i32
      %scan3A_198 = scf.for %scan3A_295 = %scan3A_194 to %scan3A_196 step %scan3A_197 iter_args(%scan3A_296 = %broadcast_in_dim3A_193) -> (vector<16xi32>)  : i32 {
        %mul3A_297 = arith.constant 4 : i32
        %mul3A_298 = arith.muli %scan3A_295, %mul3A_297 : i32
        %add3A_299 = arith.constant 0 : i32
        %add3A_300 = arith.addi %add3A_299, %mul3A_298 : i32
        %add3A_301 = arith.constant 0 : i32
        %add3A_302 = arith.addi %add3A_300, %add3A_301 : i32
        %get3A = arith.index_cast %add3A_302 : i32 to index
        %get3A_303 = arith.constant 0 : index
        %get3A_304 = tpu.vector_load %arg7[%get3A, %get3A_303] {strides = array<i32>} : memref<512x32xf32, #tpu.memory_space<vmem>>, vector<16xf32>,
        %get3A_305 = arith.index_cast %add3A_302 : i32 to index
        %get3A_306 = arith.constant 16 : index
        %get3A_307 = tpu.vector_load %arg7[%get3A_305, %get3A_306] {strides = array<i32>} : memref<512x32xf32, #tpu.memory_space<vmem>>, vector<16xf32>,
        %max3A = arith.constant 0.000000e+00 : f32
        %max3A_308 = vector.broadcast %max3A : f32 to vector<16xf32>
        %max3A_309 = arith.maximumf %get3A_304, %max3A_308 : vector<16xf32>
        tpu.vector_store_idx %arg9[%shift_right_logical3A_2, %broadcast_in_dim3A_191, %and3A_7, %scan3A_296], %max3A_309 : memref<4x4x8x129xf32, #tpu.memory_space<vmem>>[vector<16xi32>, vector<16xi32>, vector<16xi32>, vector<16xi32>], vector<16xf32>,
        %max3A_310 = arith.constant 0.000000e+00 : f32
        %max3A_311 = vector.broadcast %max3A_310 : f32 to vector<16xf32>
        %max3A_312 = arith.maximumf %get3A_307, %max3A_311 : vector<16xf32>
        tpu.vector_store_idx %arg9[%add3A_5, %broadcast_in_dim3A_191, %and3A_7, %scan3A_296], %max3A_312 : memref<4x4x8x129xf32, #tpu.memory_space<vmem>>[vector<16xi32>, vector<16xi32>, vector<16xi32>, vector<16xi32>], vector<16xf32>,
        %add3A_313 = arith.constant 1 : i32
        %add3A_314 = vector.broadcast %add3A_313 : i32 to vector<16xi32>
        %add3A_315 = arith.addi %scan3A_296, %add3A_314 : vector<16xi32>
        %mul3A_316 = arith.constant 4 : i32
        %mul3A_317 = arith.muli %scan3A_295, %mul3A_316 : i32
        %add3A_318 = arith.constant 0 : i32
        %add3A_319 = arith.addi %add3A_318, %mul3A_317 : i32
        %add3A_320 = arith.constant 1 : i32
        %add3A_321 = arith.addi %add3A_319, %add3A_320 : i32
        %get3A_322 = arith.index_cast %add3A_321 : i32 to index
        %get3A_323 = arith.constant 0 : index
        %get3A_324 = tpu.vector_load %arg7[%get3A_322, %get3A_323] {strides = array<i32>} : memref<512x32xf32, #tpu.memory_space<vmem>>, vector<16xf32>,
        %get3A_325 = arith.index_cast %add3A_321 : i32 to index
        %get3A_326 = arith.constant 16 : index
        %get3A_327 = tpu.vector_load %arg7[%get3A_325, %get3A_326] {strides = array<i32>} : memref<512x32xf32, #tpu.memory_space<vmem>>, vector<16xf32>,
        %max3A_328 = arith.constant 0.000000e+00 : f32
        %max3A_329 = vector.broadcast %max3A_328 : f32 to vector<16xf32>
        %max3A_330 = arith.maximumf %get3A_324, %max3A_329 : vector<16xf32>
        tpu.vector_store_idx %arg9[%shift_right_logical3A_2, %broadcast_in_dim3A_191, %and3A_7, %add3A_315], %max3A_330 : memref<4x4x8x129xf32, #tpu.memory_space<vmem>>[vector<16xi32>, vector<16xi32>, vector<16xi32>, vector<16xi32>], vector<16xf32>,
        %max3A_331 = arith.constant 0.000000e+00 : f32
        %max3A_332 = vector.broadcast %max3A_331 : f32 to vector<16xf32>
        %max3A_333 = arith.maximumf %get3A_327, %max3A_332 : vector<16xf32>
        tpu.vector_store_idx %arg9[%add3A_5, %broadcast_in_dim3A_191, %and3A_7, %add3A_315], %max3A_333 : memref<4x4x8x129xf32, #tpu.memory_space<vmem>>[vector<16xi32>, vector<16xi32>, vector<16xi32>, vector<16xi32>], vector<16xf32>,
        %add3A_334 = arith.constant 1 : i32
        %add3A_335 = vector.broadcast %add3A_334 : i32 to vector<16xi32>
        %add3A_336 = arith.addi %add3A_315, %add3A_335 : vector<16xi32>
        %mul3A_337 = arith.constant 4 : i32
        %mul3A_338 = arith.muli %scan3A_295, %mul3A_337 : i32
        %add3A_339 = arith.constant 0 : i32
        %add3A_340 = arith.addi %add3A_339, %mul3A_338 : i32
        %add3A_341 = arith.constant 2 : i32
        %add3A_342 = arith.addi %add3A_340, %add3A_341 : i32
        %get3A_343 = arith.index_cast %add3A_342 : i32 to index
        %get3A_344 = arith.constant 0 : index
        %get3A_345 = tpu.vector_load %arg7[%get3A_343, %get3A_344] {strides = array<i32>} : memref<512x32xf32, #tpu.memory_space<vmem>>, vector<16xf32>,
        %get3A_346 = arith.index_cast %add3A_342 : i32 to index
        %get3A_347 = arith.constant 16 : index
        %get3A_348 = tpu.vector_load %arg7[%get3A_346, %get3A_347] {strides = array<i32>} : memref<512x32xf32, #tpu.memory_space<vmem>>, vector<16xf32>,
        %max3A_349 = arith.constant 0.000000e+00 : f32
        %max3A_350 = vector.broadcast %max3A_349 : f32 to vector<16xf32>
        %max3A_351 = arith.maximumf %get3A_345, %max3A_350 : vector<16xf32>
        tpu.vector_store_idx %arg9[%shift_right_logical3A_2, %broadcast_in_dim3A_191, %and3A_7, %add3A_336], %max3A_351 : memref<4x4x8x129xf32, #tpu.memory_space<vmem>>[vector<16xi32>, vector<16xi32>, vector<16xi32>, vector<16xi32>], vector<16xf32>,
        %max3A_352 = arith.constant 0.000000e+00 : f32
        %max3A_353 = vector.broadcast %max3A_352 : f32 to vector<16xf32>
        %max3A_354 = arith.maximumf %get3A_348, %max3A_353 : vector<16xf32>
        tpu.vector_store_idx %arg9[%add3A_5, %broadcast_in_dim3A_191, %and3A_7, %add3A_336], %max3A_354 : memref<4x4x8x129xf32, #tpu.memory_space<vmem>>[vector<16xi32>, vector<16xi32>, vector<16xi32>, vector<16xi32>], vector<16xf32>,
        %add3A_355 = arith.constant 1 : i32
        %add3A_356 = vector.broadcast %add3A_355 : i32 to vector<16xi32>
        %add3A_357 = arith.addi %add3A_336, %add3A_356 : vector<16xi32>
        %mul3A_358 = arith.constant 4 : i32
        %mul3A_359 = arith.muli %scan3A_295, %mul3A_358 : i32
        %add3A_360 = arith.constant 0 : i32
        %add3A_361 = arith.addi %add3A_360, %mul3A_359 : i32
        %add3A_362 = arith.constant 3 : i32
        %add3A_363 = arith.addi %add3A_361, %add3A_362 : i32
        %get3A_364 = arith.index_cast %add3A_363 : i32 to index
        %get3A_365 = arith.constant 0 : index
        %get3A_366 = tpu.vector_load %arg7[%get3A_364, %get3A_365] {strides = array<i32>} : memref<512x32xf32, #tpu.memory_space<vmem>>, vector<16xf32>,
        %get3A_367 = arith.index_cast %add3A_363 : i32 to index
        %get3A_368 = arith.constant 16 : index
        %get3A_369 = tpu.vector_load %arg7[%get3A_367, %get3A_368] {strides = array<i32>} : memref<512x32xf32, #tpu.memory_space<vmem>>, vector<16xf32>,
        %max3A_370 = arith.constant 0.000000e+00 : f32
        %max3A_371 = vector.broadcast %max3A_370 : f32 to vector<16xf32>
        %max3A_372 = arith.maximumf %get3A_366, %max3A_371 : vector<16xf32>
        tpu.vector_store_idx %arg9[%shift_right_logical3A_2, %broadcast_in_dim3A_191, %and3A_7, %add3A_357], %max3A_372 : memref<4x4x8x129xf32, #tpu.memory_space<vmem>>[vector<16xi32>, vector<16xi32>, vector<16xi32>, vector<16xi32>], vector<16xf32>,
        %max3A_373 = arith.constant 0.000000e+00 : f32
        %max3A_374 = vector.broadcast %max3A_373 : f32 to vector<16xf32>
        %max3A_375 = arith.maximumf %get3A_369, %max3A_374 : vector<16xf32>
        tpu.vector_store_idx %arg9[%add3A_5, %broadcast_in_dim3A_191, %and3A_7, %add3A_357], %max3A_375 : memref<4x4x8x129xf32, #tpu.memory_space<vmem>>[vector<16xi32>, vector<16xi32>, vector<16xi32>, vector<16xi32>], vector<16xf32>,
        %add3A_376 = arith.constant 1 : i32
        %add3A_377 = vector.broadcast %add3A_376 : i32 to vector<16xi32>
        %add3A_378 = arith.addi %add3A_357, %add3A_377 : vector<16xi32>
        scf.yield %add3A_378 : vector<16xi32>
      }
      %scan3A_199 = arith.constant 32 : i32
      %broadcast_in_dim3A_200 = arith.constant 1 : i32
      %broadcast_in_dim3A_201 = vector.broadcast %broadcast_in_dim3A_200 : i32 to vector<16xi32>
      %broadcast_in_dim3A_202 = arith.constant 0 : i32
      %broadcast_in_dim3A_203 = vector.broadcast %broadcast_in_dim3A_202 : i32 to vector<16xi32>
      %scan3A_204 = arith.constant 0 : i32
      %scan3A_205 = arith.constant 32 : i32
      %scan3A_206 = arith.addi %scan3A_204, %scan3A_205 : i32
      %scan3A_207 = arith.constant 1 : i32
      %scan3A_208 = scf.for %scan3A_295 = %scan3A_204 to %scan3A_206 step %scan3A_207 iter_args(%scan3A_296 = %broadcast_in_dim3A_203) -> (vector<16xi32>)  : i32 {
        %mul3A_297 = arith.constant 4 : i32
        %mul3A_298 = arith.muli %scan3A_295, %mul3A_297 : i32
        %add3A_299 = arith.constant 128 : i32
        %add3A_300 = arith.addi %add3A_299, %mul3A_298 : i32
        %add3A_301 = arith.constant 0 : i32
        %add3A_302 = arith.addi %add3A_300, %add3A_301 : i32
        %get3A = arith.index_cast %add3A_302 : i32 to index
        %get3A_303 = arith.constant 0 : index
        %get3A_304 = tpu.vector_load %arg7[%get3A, %get3A_303] {strides = array<i32>} : memref<512x32xf32, #tpu.memory_space<vmem>>, vector<16xf32>,
        %get3A_305 = arith.index_cast %add3A_302 : i32 to index
        %get3A_306 = arith.constant 16 : index
        %get3A_307 = tpu.vector_load %arg7[%get3A_305, %get3A_306] {strides = array<i32>} : memref<512x32xf32, #tpu.memory_space<vmem>>, vector<16xf32>,
        %max3A = arith.constant 0.000000e+00 : f32
        %max3A_308 = vector.broadcast %max3A : f32 to vector<16xf32>
        %max3A_309 = arith.maximumf %get3A_304, %max3A_308 : vector<16xf32>
        tpu.vector_store_idx %arg9[%shift_right_logical3A_2, %broadcast_in_dim3A_201, %and3A_7, %scan3A_296], %max3A_309 : memref<4x4x8x129xf32, #tpu.memory_space<vmem>>[vector<16xi32>, vector<16xi32>, vector<16xi32>, vector<16xi32>], vector<16xf32>,
        %max3A_310 = arith.constant 0.000000e+00 : f32
        %max3A_311 = vector.broadcast %max3A_310 : f32 to vector<16xf32>
        %max3A_312 = arith.maximumf %get3A_307, %max3A_311 : vector<16xf32>
        tpu.vector_store_idx %arg9[%add3A_5, %broadcast_in_dim3A_201, %and3A_7, %scan3A_296], %max3A_312 : memref<4x4x8x129xf32, #tpu.memory_space<vmem>>[vector<16xi32>, vector<16xi32>, vector<16xi32>, vector<16xi32>], vector<16xf32>,
        %add3A_313 = arith.constant 1 : i32
        %add3A_314 = vector.broadcast %add3A_313 : i32 to vector<16xi32>
        %add3A_315 = arith.addi %scan3A_296, %add3A_314 : vector<16xi32>
        %mul3A_316 = arith.constant 4 : i32
        %mul3A_317 = arith.muli %scan3A_295, %mul3A_316 : i32
        %add3A_318 = arith.constant 128 : i32
        %add3A_319 = arith.addi %add3A_318, %mul3A_317 : i32
        %add3A_320 = arith.constant 1 : i32
        %add3A_321 = arith.addi %add3A_319, %add3A_320 : i32
        %get3A_322 = arith.index_cast %add3A_321 : i32 to index
        %get3A_323 = arith.constant 0 : index
        %get3A_324 = tpu.vector_load %arg7[%get3A_322, %get3A_323] {strides = array<i32>} : memref<512x32xf32, #tpu.memory_space<vmem>>, vector<16xf32>,
        %get3A_325 = arith.index_cast %add3A_321 : i32 to index
        %get3A_326 = arith.constant 16 : index
        %get3A_327 = tpu.vector_load %arg7[%get3A_325, %get3A_326] {strides = array<i32>} : memref<512x32xf32, #tpu.memory_space<vmem>>, vector<16xf32>,
        %max3A_328 = arith.constant 0.000000e+00 : f32
        %max3A_329 = vector.broadcast %max3A_328 : f32 to vector<16xf32>
        %max3A_330 = arith.maximumf %get3A_324, %max3A_329 : vector<16xf32>
        tpu.vector_store_idx %arg9[%shift_right_logical3A_2, %broadcast_in_dim3A_201, %and3A_7, %add3A_315], %max3A_330 : memref<4x4x8x129xf32, #tpu.memory_space<vmem>>[vector<16xi32>, vector<16xi32>, vector<16xi32>, vector<16xi32>], vector<16xf32>,
        %max3A_331 = arith.constant 0.000000e+00 : f32
        %max3A_332 = vector.broadcast %max3A_331 : f32 to vector<16xf32>
        %max3A_333 = arith.maximumf %get3A_327, %max3A_332 : vector<16xf32>
        tpu.vector_store_idx %arg9[%add3A_5, %broadcast_in_dim3A_201, %and3A_7, %add3A_315], %max3A_333 : memref<4x4x8x129xf32, #tpu.memory_space<vmem>>[vector<16xi32>, vector<16xi32>, vector<16xi32>, vector<16xi32>], vector<16xf32>,
        %add3A_334 = arith.constant 1 : i32
        %add3A_335 = vector.broadcast %add3A_334 : i32 to vector<16xi32>
        %add3A_336 = arith.addi %add3A_315, %add3A_335 : vector<16xi32>
        %mul3A_337 = arith.constant 4 : i32
        %mul3A_338 = arith.muli %scan3A_295, %mul3A_337 : i32
        %add3A_339 = arith.constant 128 : i32
        %add3A_340 = arith.addi %add3A_339, %mul3A_338 : i32
        %add3A_341 = arith.constant 2 : i32
        %add3A_342 = arith.addi %add3A_340, %add3A_341 : i32
        %get3A_343 = arith.index_cast %add3A_342 : i32 to index
        %get3A_344 = arith.constant 0 : index
        %get3A_345 = tpu.vector_load %arg7[%get3A_343, %get3A_344] {strides = array<i32>} : memref<512x32xf32, #tpu.memory_space<vmem>>, vector<16xf32>,
        %get3A_346 = arith.index_cast %add3A_342 : i32 to index
        %get3A_347 = arith.constant 16 : index
        %get3A_348 = tpu.vector_load %arg7[%get3A_346, %get3A_347] {strides = array<i32>} : memref<512x32xf32, #tpu.memory_space<vmem>>, vector<16xf32>,
        %max3A_349 = arith.constant 0.000000e+00 : f32
        %max3A_350 = vector.broadcast %max3A_349 : f32 to vector<16xf32>
        %max3A_351 = arith.maximumf %get3A_345, %max3A_350 : vector<16xf32>
        tpu.vector_store_idx %arg9[%shift_right_logical3A_2, %broadcast_in_dim3A_201, %and3A_7, %add3A_336], %max3A_351 : memref<4x4x8x129xf32, #tpu.memory_space<vmem>>[vector<16xi32>, vector<16xi32>, vector<16xi32>, vector<16xi32>], vector<16xf32>,
        %max3A_352 = arith.constant 0.000000e+00 : f32
        %max3A_353 = vector.broadcast %max3A_352 : f32 to vector<16xf32>
        %max3A_354 = arith.maximumf %get3A_348, %max3A_353 : vector<16xf32>
        tpu.vector_store_idx %arg9[%add3A_5, %broadcast_in_dim3A_201, %and3A_7, %add3A_336], %max3A_354 : memref<4x4x8x129xf32, #tpu.memory_space<vmem>>[vector<16xi32>, vector<16xi32>, vector<16xi32>, vector<16xi32>], vector<16xf32>,
        %add3A_355 = arith.constant 1 : i32
        %add3A_356 = vector.broadcast %add3A_355 : i32 to vector<16xi32>
        %add3A_357 = arith.addi %add3A_336, %add3A_356 : vector<16xi32>
        %mul3A_358 = arith.constant 4 : i32
        %mul3A_359 = arith.muli %scan3A_295, %mul3A_358 : i32
        %add3A_360 = arith.constant 128 : i32
        %add3A_361 = arith.addi %add3A_360, %mul3A_359 : i32
        %add3A_362 = arith.constant 3 : i32
        %add3A_363 = arith.addi %add3A_361, %add3A_362 : i32
        %get3A_364 = arith.index_cast %add3A_363 : i32 to index
        %get3A_365 = arith.constant 0 : index
        %get3A_366 = tpu.vector_load %arg7[%get3A_364, %get3A_365] {strides = array<i32>} : memref<512x32xf32, #tpu.memory_space<vmem>>, vector<16xf32>,
        %get3A_367 = arith.index_cast %add3A_363 : i32 to index
        %get3A_368 = arith.constant 16 : index
        %get3A_369 = tpu.vector_load %arg7[%get3A_367, %get3A_368] {strides = array<i32>} : memref<512x32xf32, #tpu.memory_space<vmem>>, vector<16xf32>,
        %max3A_370 = arith.constant 0.000000e+00 : f32
        %max3A_371 = vector.broadcast %max3A_370 : f32 to vector<16xf32>
        %max3A_372 = arith.maximumf %get3A_366, %max3A_371 : vector<16xf32>
        tpu.vector_store_idx %arg9[%shift_right_logical3A_2, %broadcast_in_dim3A_201, %and3A_7, %add3A_357], %max3A_372 : memref<4x4x8x129xf32, #tpu.memory_space<vmem>>[vector<16xi32>, vector<16xi32>, vector<16xi32>, vector<16xi32>], vector<16xf32>,
        %max3A_373 = arith.constant 0.000000e+00 : f32
        %max3A_374 = vector.broadcast %max3A_373 : f32 to vector<16xf32>
        %max3A_375 = arith.maximumf %get3A_369, %max3A_374 : vector<16xf32>
        tpu.vector_store_idx %arg9[%add3A_5, %broadcast_in_dim3A_201, %and3A_7, %add3A_357], %max3A_375 : memref<4x4x8x129xf32, #tpu.memory_space<vmem>>[vector<16xi32>, vector<16xi32>, vector<16xi32>, vector<16xi32>], vector<16xf32>,
        %add3A_376 = arith.constant 1 : i32
        %add3A_377 = vector.broadcast %add3A_376 : i32 to vector<16xi32>
        %add3A_378 = arith.addi %add3A_357, %add3A_377 : vector<16xi32>
        scf.yield %add3A_378 : vector<16xi32>
      }
      %scan3A_209 = arith.constant 32 : i32
      %broadcast_in_dim3A_210 = arith.constant 2 : i32
      %broadcast_in_dim3A_211 = vector.broadcast %broadcast_in_dim3A_210 : i32 to vector<16xi32>
      %broadcast_in_dim3A_212 = arith.constant 0 : i32
      %broadcast_in_dim3A_213 = vector.broadcast %broadcast_in_dim3A_212 : i32 to vector<16xi32>
      %scan3A_214 = arith.constant 0 : i32
      %scan3A_215 = arith.constant 32 : i32
      %scan3A_216 = arith.addi %scan3A_214, %scan3A_215 : i32
      %scan3A_217 = arith.constant 1 : i32
      %scan3A_218 = scf.for %scan3A_295 = %scan3A_214 to %scan3A_216 step %scan3A_217 iter_args(%scan3A_296 = %broadcast_in_dim3A_213) -> (vector<16xi32>)  : i32 {
        %mul3A_297 = arith.constant 4 : i32
        %mul3A_298 = arith.muli %scan3A_295, %mul3A_297 : i32
        %add3A_299 = arith.constant 256 : i32
        %add3A_300 = arith.addi %add3A_299, %mul3A_298 : i32
        %add3A_301 = arith.constant 0 : i32
        %add3A_302 = arith.addi %add3A_300, %add3A_301 : i32
        %get3A = arith.index_cast %add3A_302 : i32 to index
        %get3A_303 = arith.constant 0 : index
        %get3A_304 = tpu.vector_load %arg7[%get3A, %get3A_303] {strides = array<i32>} : memref<512x32xf32, #tpu.memory_space<vmem>>, vector<16xf32>,
        %get3A_305 = arith.index_cast %add3A_302 : i32 to index
        %get3A_306 = arith.constant 16 : index
        %get3A_307 = tpu.vector_load %arg7[%get3A_305, %get3A_306] {strides = array<i32>} : memref<512x32xf32, #tpu.memory_space<vmem>>, vector<16xf32>,
        %max3A = arith.constant 0.000000e+00 : f32
        %max3A_308 = vector.broadcast %max3A : f32 to vector<16xf32>
        %max3A_309 = arith.maximumf %get3A_304, %max3A_308 : vector<16xf32>
        tpu.vector_store_idx %arg9[%shift_right_logical3A_2, %broadcast_in_dim3A_211, %and3A_7, %scan3A_296], %max3A_309 : memref<4x4x8x129xf32, #tpu.memory_space<vmem>>[vector<16xi32>, vector<16xi32>, vector<16xi32>, vector<16xi32>], vector<16xf32>,
        %max3A_310 = arith.constant 0.000000e+00 : f32
        %max3A_311 = vector.broadcast %max3A_310 : f32 to vector<16xf32>
        %max3A_312 = arith.maximumf %get3A_307, %max3A_311 : vector<16xf32>
        tpu.vector_store_idx %arg9[%add3A_5, %broadcast_in_dim3A_211, %and3A_7, %scan3A_296], %max3A_312 : memref<4x4x8x129xf32, #tpu.memory_space<vmem>>[vector<16xi32>, vector<16xi32>, vector<16xi32>, vector<16xi32>], vector<16xf32>,
        %add3A_313 = arith.constant 1 : i32
        %add3A_314 = vector.broadcast %add3A_313 : i32 to vector<16xi32>
        %add3A_315 = arith.addi %scan3A_296, %add3A_314 : vector<16xi32>
        %mul3A_316 = arith.constant 4 : i32
        %mul3A_317 = arith.muli %scan3A_295, %mul3A_316 : i32
        %add3A_318 = arith.constant 256 : i32
        %add3A_319 = arith.addi %add3A_318, %mul3A_317 : i32
        %add3A_320 = arith.constant 1 : i32
        %add3A_321 = arith.addi %add3A_319, %add3A_320 : i32
        %get3A_322 = arith.index_cast %add3A_321 : i32 to index
        %get3A_323 = arith.constant 0 : index
        %get3A_324 = tpu.vector_load %arg7[%get3A_322, %get3A_323] {strides = array<i32>} : memref<512x32xf32, #tpu.memory_space<vmem>>, vector<16xf32>,
        %get3A_325 = arith.index_cast %add3A_321 : i32 to index
        %get3A_326 = arith.constant 16 : index
        %get3A_327 = tpu.vector_load %arg7[%get3A_325, %get3A_326] {strides = array<i32>} : memref<512x32xf32, #tpu.memory_space<vmem>>, vector<16xf32>,
        %max3A_328 = arith.constant 0.000000e+00 : f32
        %max3A_329 = vector.broadcast %max3A_328 : f32 to vector<16xf32>
        %max3A_330 = arith.maximumf %get3A_324, %max3A_329 : vector<16xf32>
        tpu.vector_store_idx %arg9[%shift_right_logical3A_2, %broadcast_in_dim3A_211, %and3A_7, %add3A_315], %max3A_330 : memref<4x4x8x129xf32, #tpu.memory_space<vmem>>[vector<16xi32>, vector<16xi32>, vector<16xi32>, vector<16xi32>], vector<16xf32>,
        %max3A_331 = arith.constant 0.000000e+00 : f32
        %max3A_332 = vector.broadcast %max3A_331 : f32 to vector<16xf32>
        %max3A_333 = arith.maximumf %get3A_327, %max3A_332 : vector<16xf32>
        tpu.vector_store_idx %arg9[%add3A_5, %broadcast_in_dim3A_211, %and3A_7, %add3A_315], %max3A_333 : memref<4x4x8x129xf32, #tpu.memory_space<vmem>>[vector<16xi32>, vector<16xi32>, vector<16xi32>, vector<16xi32>], vector<16xf32>,
        %add3A_334 = arith.constant 1 : i32
        %add3A_335 = vector.broadcast %add3A_334 : i32 to vector<16xi32>
        %add3A_336 = arith.addi %add3A_315, %add3A_335 : vector<16xi32>
        %mul3A_337 = arith.constant 4 : i32
        %mul3A_338 = arith.muli %scan3A_295, %mul3A_337 : i32
        %add3A_339 = arith.constant 256 : i32
        %add3A_340 = arith.addi %add3A_339, %mul3A_338 : i32
        %add3A_341 = arith.constant 2 : i32
        %add3A_342 = arith.addi %add3A_340, %add3A_341 : i32
        %get3A_343 = arith.index_cast %add3A_342 : i32 to index
        %get3A_344 = arith.constant 0 : index
        %get3A_345 = tpu.vector_load %arg7[%get3A_343, %get3A_344] {strides = array<i32>} : memref<512x32xf32, #tpu.memory_space<vmem>>, vector<16xf32>,
        %get3A_346 = arith.index_cast %add3A_342 : i32 to index
        %get3A_347 = arith.constant 16 : index
        %get3A_348 = tpu.vector_load %arg7[%get3A_346, %get3A_347] {strides = array<i32>} : memref<512x32xf32, #tpu.memory_space<vmem>>, vector<16xf32>,
        %max3A_349 = arith.constant 0.000000e+00 : f32
        %max3A_350 = vector.broadcast %max3A_349 : f32 to vector<16xf32>
        %max3A_351 = arith.maximumf %get3A_345, %max3A_350 : vector<16xf32>
        tpu.vector_store_idx %arg9[%shift_right_logical3A_2, %broadcast_in_dim3A_211, %and3A_7, %add3A_336], %max3A_351 : memref<4x4x8x129xf32, #tpu.memory_space<vmem>>[vector<16xi32>, vector<16xi32>, vector<16xi32>, vector<16xi32>], vector<16xf32>,
        %max3A_352 = arith.constant 0.000000e+00 : f32
        %max3A_353 = vector.broadcast %max3A_352 : f32 to vector<16xf32>
        %max3A_354 = arith.maximumf %get3A_348, %max3A_353 : vector<16xf32>
        tpu.vector_store_idx %arg9[%add3A_5, %broadcast_in_dim3A_211, %and3A_7, %add3A_336], %max3A_354 : memref<4x4x8x129xf32, #tpu.memory_space<vmem>>[vector<16xi32>, vector<16xi32>, vector<16xi32>, vector<16xi32>], vector<16xf32>,
        %add3A_355 = arith.constant 1 : i32
        %add3A_356 = vector.broadcast %add3A_355 : i32 to vector<16xi32>
        %add3A_357 = arith.addi %add3A_336, %add3A_356 : vector<16xi32>
        %mul3A_358 = arith.constant 4 : i32
        %mul3A_359 = arith.muli %scan3A_295, %mul3A_358 : i32
        %add3A_360 = arith.constant 256 : i32
        %add3A_361 = arith.addi %add3A_360, %mul3A_359 : i32
        %add3A_362 = arith.constant 3 : i32
        %add3A_363 = arith.addi %add3A_361, %add3A_362 : i32
        %get3A_364 = arith.index_cast %add3A_363 : i32 to index
        %get3A_365 = arith.constant 0 : index
        %get3A_366 = tpu.vector_load %arg7[%get3A_364, %get3A_365] {strides = array<i32>} : memref<512x32xf32, #tpu.memory_space<vmem>>, vector<16xf32>,
        %get3A_367 = arith.index_cast %add3A_363 : i32 to index
        %get3A_368 = arith.constant 16 : index
        %get3A_369 = tpu.vector_load %arg7[%get3A_367, %get3A_368] {strides = array<i32>} : memref<512x32xf32, #tpu.memory_space<vmem>>, vector<16xf32>,
        %max3A_370 = arith.constant 0.000000e+00 : f32
        %max3A_371 = vector.broadcast %max3A_370 : f32 to vector<16xf32>
        %max3A_372 = arith.maximumf %get3A_366, %max3A_371 : vector<16xf32>
        tpu.vector_store_idx %arg9[%shift_right_logical3A_2, %broadcast_in_dim3A_211, %and3A_7, %add3A_357], %max3A_372 : memref<4x4x8x129xf32, #tpu.memory_space<vmem>>[vector<16xi32>, vector<16xi32>, vector<16xi32>, vector<16xi32>], vector<16xf32>,
        %max3A_373 = arith.constant 0.000000e+00 : f32
        %max3A_374 = vector.broadcast %max3A_373 : f32 to vector<16xf32>
        %max3A_375 = arith.maximumf %get3A_369, %max3A_374 : vector<16xf32>
        tpu.vector_store_idx %arg9[%add3A_5, %broadcast_in_dim3A_211, %and3A_7, %add3A_357], %max3A_375 : memref<4x4x8x129xf32, #tpu.memory_space<vmem>>[vector<16xi32>, vector<16xi32>, vector<16xi32>, vector<16xi32>], vector<16xf32>,
        %add3A_376 = arith.constant 1 : i32
        %add3A_377 = vector.broadcast %add3A_376 : i32 to vector<16xi32>
        %add3A_378 = arith.addi %add3A_357, %add3A_377 : vector<16xi32>
        scf.yield %add3A_378 : vector<16xi32>
      }
      %scan3A_219 = arith.constant 32 : i32
      %broadcast_in_dim3A_220 = arith.constant 3 : i32
      %broadcast_in_dim3A_221 = vector.broadcast %broadcast_in_dim3A_220 : i32 to vector<16xi32>
      %broadcast_in_dim3A_222 = arith.constant 0 : i32
      %broadcast_in_dim3A_223 = vector.broadcast %broadcast_in_dim3A_222 : i32 to vector<16xi32>
      %scan3A_224 = arith.constant 0 : i32
      %scan3A_225 = arith.constant 32 : i32
      %scan3A_226 = arith.addi %scan3A_224, %scan3A_225 : i32
      %scan3A_227 = arith.constant 1 : i32
      %scan3A_228 = scf.for %scan3A_295 = %scan3A_224 to %scan3A_226 step %scan3A_227 iter_args(%scan3A_296 = %broadcast_in_dim3A_223) -> (vector<16xi32>)  : i32 {
        %mul3A_297 = arith.constant 4 : i32
        %mul3A_298 = arith.muli %scan3A_295, %mul3A_297 : i32
        %add3A_299 = arith.constant 384 : i32
        %add3A_300 = arith.addi %add3A_299, %mul3A_298 : i32
        %add3A_301 = arith.constant 0 : i32
        %add3A_302 = arith.addi %add3A_300, %add3A_301 : i32
        %get3A = arith.index_cast %add3A_302 : i32 to index
        %get3A_303 = arith.constant 0 : index
        %get3A_304 = tpu.vector_load %arg7[%get3A, %get3A_303] {strides = array<i32>} : memref<512x32xf32, #tpu.memory_space<vmem>>, vector<16xf32>,
        %get3A_305 = arith.index_cast %add3A_302 : i32 to index
        %get3A_306 = arith.constant 16 : index
        %get3A_307 = tpu.vector_load %arg7[%get3A_305, %get3A_306] {strides = array<i32>} : memref<512x32xf32, #tpu.memory_space<vmem>>, vector<16xf32>,
        %max3A = arith.constant 0.000000e+00 : f32
        %max3A_308 = vector.broadcast %max3A : f32 to vector<16xf32>
        %max3A_309 = arith.maximumf %get3A_304, %max3A_308 : vector<16xf32>
        tpu.vector_store_idx %arg9[%shift_right_logical3A_2, %broadcast_in_dim3A_221, %and3A_7, %scan3A_296], %max3A_309 : memref<4x4x8x129xf32, #tpu.memory_space<vmem>>[vector<16xi32>, vector<16xi32>, vector<16xi32>, vector<16xi32>], vector<16xf32>,
        %max3A_310 = arith.constant 0.000000e+00 : f32
        %max3A_311 = vector.broadcast %max3A_310 : f32 to vector<16xf32>
        %max3A_312 = arith.maximumf %get3A_307, %max3A_311 : vector<16xf32>
        tpu.vector_store_idx %arg9[%add3A_5, %broadcast_in_dim3A_221, %and3A_7, %scan3A_296], %max3A_312 : memref<4x4x8x129xf32, #tpu.memory_space<vmem>>[vector<16xi32>, vector<16xi32>, vector<16xi32>, vector<16xi32>], vector<16xf32>,
        %add3A_313 = arith.constant 1 : i32
        %add3A_314 = vector.broadcast %add3A_313 : i32 to vector<16xi32>
        %add3A_315 = arith.addi %scan3A_296, %add3A_314 : vector<16xi32>
        %mul3A_316 = arith.constant 4 : i32
        %mul3A_317 = arith.muli %scan3A_295, %mul3A_316 : i32
        %add3A_318 = arith.constant 384 : i32
        %add3A_319 = arith.addi %add3A_318, %mul3A_317 : i32
        %add3A_320 = arith.constant 1 : i32
        %add3A_321 = arith.addi %add3A_319, %add3A_320 : i32
        %get3A_322 = arith.index_cast %add3A_321 : i32 to index
        %get3A_323 = arith.constant 0 : index
        %get3A_324 = tpu.vector_load %arg7[%get3A_322, %get3A_323] {strides = array<i32>} : memref<512x32xf32, #tpu.memory_space<vmem>>, vector<16xf32>,
        %get3A_325 = arith.index_cast %add3A_321 : i32 to index
        %get3A_326 = arith.constant 16 : index
        %get3A_327 = tpu.vector_load %arg7[%get3A_325, %get3A_326] {strides = array<i32>} : memref<512x32xf32, #tpu.memory_space<vmem>>, vector<16xf32>,
        %max3A_328 = arith.constant 0.000000e+00 : f32
        %max3A_329 = vector.broadcast %max3A_328 : f32 to vector<16xf32>
        %max3A_330 = arith.maximumf %get3A_324, %max3A_329 : vector<16xf32>
        tpu.vector_store_idx %arg9[%shift_right_logical3A_2, %broadcast_in_dim3A_221, %and3A_7, %add3A_315], %max3A_330 : memref<4x4x8x129xf32, #tpu.memory_space<vmem>>[vector<16xi32>, vector<16xi32>, vector<16xi32>, vector<16xi32>], vector<16xf32>,
        %max3A_331 = arith.constant 0.000000e+00 : f32
        %max3A_332 = vector.broadcast %max3A_331 : f32 to vector<16xf32>
        %max3A_333 = arith.maximumf %get3A_327, %max3A_332 : vector<16xf32>
        tpu.vector_store_idx %arg9[%add3A_5, %broadcast_in_dim3A_221, %and3A_7, %add3A_315], %max3A_333 : memref<4x4x8x129xf32, #tpu.memory_space<vmem>>[vector<16xi32>, vector<16xi32>, vector<16xi32>, vector<16xi32>], vector<16xf32>,
        %add3A_334 = arith.constant 1 : i32
        %add3A_335 = vector.broadcast %add3A_334 : i32 to vector<16xi32>
        %add3A_336 = arith.addi %add3A_315, %add3A_335 : vector<16xi32>
        %mul3A_337 = arith.constant 4 : i32
        %mul3A_338 = arith.muli %scan3A_295, %mul3A_337 : i32
        %add3A_339 = arith.constant 384 : i32
        %add3A_340 = arith.addi %add3A_339, %mul3A_338 : i32
        %add3A_341 = arith.constant 2 : i32
        %add3A_342 = arith.addi %add3A_340, %add3A_341 : i32
        %get3A_343 = arith.index_cast %add3A_342 : i32 to index
        %get3A_344 = arith.constant 0 : index
        %get3A_345 = tpu.vector_load %arg7[%get3A_343, %get3A_344] {strides = array<i32>} : memref<512x32xf32, #tpu.memory_space<vmem>>, vector<16xf32>,
        %get3A_346 = arith.index_cast %add3A_342 : i32 to index
        %get3A_347 = arith.constant 16 : index
        %get3A_348 = tpu.vector_load %arg7[%get3A_346, %get3A_347] {strides = array<i32>} : memref<512x32xf32, #tpu.memory_space<vmem>>, vector<16xf32>,
        %max3A_349 = arith.constant 0.000000e+00 : f32
        %max3A_350 = vector.broadcast %max3A_349 : f32 to vector<16xf32>
        %max3A_351 = arith.maximumf %get3A_345, %max3A_350 : vector<16xf32>
        tpu.vector_store_idx %arg9[%shift_right_logical3A_2, %broadcast_in_dim3A_221, %and3A_7, %add3A_336], %max3A_351 : memref<4x4x8x129xf32, #tpu.memory_space<vmem>>[vector<16xi32>, vector<16xi32>, vector<16xi32>, vector<16xi32>], vector<16xf32>,
        %max3A_352 = arith.constant 0.000000e+00 : f32
        %max3A_353 = vector.broadcast %max3A_352 : f32 to vector<16xf32>
        %max3A_354 = arith.maximumf %get3A_348, %max3A_353 : vector<16xf32>
        tpu.vector_store_idx %arg9[%add3A_5, %broadcast_in_dim3A_221, %and3A_7, %add3A_336], %max3A_354 : memref<4x4x8x129xf32, #tpu.memory_space<vmem>>[vector<16xi32>, vector<16xi32>, vector<16xi32>, vector<16xi32>], vector<16xf32>,
        %add3A_355 = arith.constant 1 : i32
        %add3A_356 = vector.broadcast %add3A_355 : i32 to vector<16xi32>
        %add3A_357 = arith.addi %add3A_336, %add3A_356 : vector<16xi32>
        %mul3A_358 = arith.constant 4 : i32
        %mul3A_359 = arith.muli %scan3A_295, %mul3A_358 : i32
        %add3A_360 = arith.constant 384 : i32
        %add3A_361 = arith.addi %add3A_360, %mul3A_359 : i32
        %add3A_362 = arith.constant 3 : i32
        %add3A_363 = arith.addi %add3A_361, %add3A_362 : i32
        %get3A_364 = arith.index_cast %add3A_363 : i32 to index
        %get3A_365 = arith.constant 0 : index
        %get3A_366 = tpu.vector_load %arg7[%get3A_364, %get3A_365] {strides = array<i32>} : memref<512x32xf32, #tpu.memory_space<vmem>>, vector<16xf32>,
        %get3A_367 = arith.index_cast %add3A_363 : i32 to index
        %get3A_368 = arith.constant 16 : index
        %get3A_369 = tpu.vector_load %arg7[%get3A_367, %get3A_368] {strides = array<i32>} : memref<512x32xf32, #tpu.memory_space<vmem>>, vector<16xf32>,
        %max3A_370 = arith.constant 0.000000e+00 : f32
        %max3A_371 = vector.broadcast %max3A_370 : f32 to vector<16xf32>
        %max3A_372 = arith.maximumf %get3A_366, %max3A_371 : vector<16xf32>
        tpu.vector_store_idx %arg9[%shift_right_logical3A_2, %broadcast_in_dim3A_221, %and3A_7, %add3A_357], %max3A_372 : memref<4x4x8x129xf32, #tpu.memory_space<vmem>>[vector<16xi32>, vector<16xi32>, vector<16xi32>, vector<16xi32>], vector<16xf32>,
        %max3A_373 = arith.constant 0.000000e+00 : f32
        %max3A_374 = vector.broadcast %max3A_373 : f32 to vector<16xf32>
        %max3A_375 = arith.maximumf %get3A_369, %max3A_374 : vector<16xf32>
        tpu.vector_store_idx %arg9[%add3A_5, %broadcast_in_dim3A_221, %and3A_7, %add3A_357], %max3A_375 : memref<4x4x8x129xf32, #tpu.memory_space<vmem>>[vector<16xi32>, vector<16xi32>, vector<16xi32>, vector<16xi32>], vector<16xf32>,
        %add3A_376 = arith.constant 1 : i32
        %add3A_377 = vector.broadcast %add3A_376 : i32 to vector<16xi32>
        %add3A_378 = arith.addi %add3A_357, %add3A_377 : vector<16xi32>
        scf.yield %add3A_378 : vector<16xi32>
      }
      %scan3A_229 = arith.constant 32 : i32
      %mul3A_230 = arith.constant 50 : i32
      %mul3A_231 = arith.muli %add3A, %mul3A_230 : i32
      %add3A_232 = arith.addi %mul3A_231, %add3A_177 : i32
      %jit3A_233 = arith.constant 32 : i32
      %div3A_234 = arith.divsi %add3A_232, %jit3A_233 : i32
      %sign3A_235 = arith.constant 0 : i32
      %sign3A_236 = arith.cmpi sgt, %add3A_232, %sign3A_235 : i32
      %sign3A_237 = arith.extui %sign3A_236 : i1 to i32
      %sign3A_238 = arith.constant 0 : i32
      %sign3A_239 = arith.cmpi slt, %add3A_232, %sign3A_238 : i32
      %sign3A_240 = arith.extui %sign3A_239 : i1 to i32
      %sign3A_241 = arith.subi %sign3A_237, %sign3A_240 : i32
      %sign3A_242 = arith.constant 0 : i32
      %sign3A_243 = arith.cmpi sgt, %jit3A_233, %sign3A_242 : i32
      %sign3A_244 = arith.extui %sign3A_243 : i1 to i32
      %sign3A_245 = arith.constant 0 : i32
      %sign3A_246 = arith.cmpi slt, %jit3A_233, %sign3A_245 : i32
      %sign3A_247 = arith.extui %sign3A_246 : i1 to i32
      %sign3A_248 = arith.subi %sign3A_244, %sign3A_247 : i32
      %ne3A_249 = arith.cmpi ne, %sign3A_241, %sign3A_248 : i32
      %rem3A_250 = arith.remsi %add3A_232, %jit3A_233 : i32
      %ne3A_251 = arith.constant 0 : i32
      %ne3A_252 = arith.cmpi ne, %rem3A_250, %ne3A_251 : i32
      %and3A_253 = arith.andi %ne3A_249, %ne3A_252 : i1
      %sub3A_254 = arith.constant 1 : i32
      %sub3A_255 = arith.subi %div3A_234, %sub3A_254 : i32
      %select_n3A_256 = arith.select %and3A_253, %sub3A_255, %div3A_234 : i32
      %jit3A_257 = arith.constant 32 : i32
      %eq3A_258 = arith.constant 0 : i32
      %eq3A_259 = arith.cmpi eq, %jit3A_257, %eq3A_258 : i32
      %jit3A_260 = arith.constant 1 : i32
      %select_n3A_261 = arith.select %eq3A_259, %jit3A_260, %jit3A_257 : i32
      %rem3A_262 = arith.remsi %add3A_232, %select_n3A_261 : i32
      %ne3A_263 = arith.constant 0 : i32
      %ne3A_264 = arith.cmpi ne, %rem3A_262, %ne3A_263 : i32
      %lt3A_265 = arith.constant 0 : i32
      %lt3A_266 = arith.cmpi slt, %rem3A_262, %lt3A_265 : i32
      %lt3A_267 = arith.constant 0 : i32
      %lt3A_268 = arith.cmpi slt, %select_n3A_261, %lt3A_267 : i32
      %ne3A_269 = arith.xori %lt3A_266, %lt3A_268 : i1
      %and3A_270 = arith.andi %ne3A_269, %ne3A_264 : i1
      %add3A_271 = arith.addi %rem3A_262, %select_n3A_261 : i32
      %select_n3A_272 = arith.select %and3A_270, %add3A_271, %rem3A_262 : i32
      %mul3A_273 = arith.constant 4 : i32
      %mul3A_274 = arith.muli %select_n3A_272, %mul3A_273 : i32
      %dma_start3A_275 = arith.constant 0 : i32
      %dma_start3A_276 = arith.constant 0 : i32
      %dma_start3A_277 = arith.constant 0 : i32
      %dma_start3A_278 = arith.constant 0 : i32
      %dma_start3A_279 = tpu.memref_slice %arg9[%dma_start3A_275, %dma_start3A_276, %dma_start3A_277, %dma_start3A_278] : memref<4x4x8x129xf32, #tpu.memory_space<vmem>> -> memref<4x4x8x128xf32, #tpu.memory_space<vmem>>
      %dma_start3A_280 = arith.constant 0 : i32
      %dma_start3A_281 = arith.constant 0 : i32
      %dma_start3A_282 = arith.constant 0 : i32
      %dma_start3A_283 = tpu.memref_slice %arg4[%select_n3A_256, %dma_start3A_280, %mul3A_274, %dma_start3A_281, %dma_start3A_282] : memref<50x4x128x8x128xf32, #tpu.memory_space<hbm>> -> memref<1x4x4x8x128xf32, #tpu.memory_space<hbm>>
      %dma_start3A_284 = tpu.memref_squeeze %dma_start3A_283 : memref<1x4x4x8x128xf32, #tpu.memory_space<hbm>> -> memref<4x4x8x128xf32, #tpu.memory_space<hbm>>
      %dma_start3A_285 = arith.constant 0 : i32
      %dma_start3A_286 = arith.constant 0 : i32
      %dma_start3A_287 = arith.constant 0 : i32
      %dma_start3A_288 = tpu.memref_slice %arg4[%select_n3A_256, %dma_start3A_285, %mul3A_274, %dma_start3A_286, %dma_start3A_287] : memref<50x4x128x8x128xf32, #tpu.memory_space<hbm>> -> memref<1x4x4x8x128xf32, #tpu.memory_space<hbm>>
      %dma_start3A_289 = tpu.memref_squeeze %dma_start3A_288 : memref<1x4x4x8x128xf32, #tpu.memory_space<hbm>> -> memref<4x4x8x128xf32, #tpu.memory_space<hbm>>
      %dma_start3A_290 = arith.constant 0 : i32
      %dma_start3A_291 = arith.constant 0 : i32
      %dma_start3A_292 = arith.constant 0 : i32
      %dma_start3A_293 = arith.constant 0 : i32
      %dma_start3A_294 = tpu.memref_slice %arg9[%dma_start3A_290, %dma_start3A_291, %dma_start3A_292, %dma_start3A_293] : memref<4x4x8x129xf32, #tpu.memory_space<vmem>> -> memref<4x4x8x128xf32, #tpu.memory_space<vmem>>
      tpu.enqueue_dma source(%dma_start3A_294 : memref<4x4x8x128xf32, #tpu.memory_space<vmem>>) target(%dma_start3A_289 : memref<4x4x8x128xf32, #tpu.memory_space<hbm>>) target_semaphore(%arg13 : memref<!tpu.dma_semaphore, #tpu.memory_space<semaphore_mem>>)
    }
    %scan3A_18 = arith.constant 25 : i32
    %dma_wait3A = arith.constant 0 : i32
    %dma_wait3A_19 = arith.constant 0 : i32
    %dma_wait3A_20 = arith.constant 0 : i32
    %dma_wait3A_21 = arith.constant 0 : i32
    %dma_wait3A_22 = arith.constant 0 : i32
    %dma_wait3A_23 = tpu.memref_slice %arg8[%dma_wait3A_19, %dma_wait3A_20, %dma_wait3A_21, %dma_wait3A_22] : memref<4x4x8x129xf32, #tpu.memory_space<vmem>> -> memref<4x4x8x128xf32, #tpu.memory_space<vmem>>
    %dma_wait3A_24 = arith.constant 0 : i32
    %dma_wait3A_25 = arith.constant 0 : i32
    %dma_wait3A_26 = arith.constant 0 : i32
    %dma_wait3A_27 = arith.constant 0 : i32
    %dma_wait3A_28 = tpu.memref_slice %arg4[%dma_wait3A, %dma_wait3A_24, %dma_wait3A_25, %dma_wait3A_26, %dma_wait3A_27] : memref<50x4x128x8x128xf32, #tpu.memory_space<hbm>> -> memref<1x4x4x8x128xf32, #tpu.memory_space<hbm>>
    %dma_wait3A_29 = tpu.memref_squeeze %dma_wait3A_28 : memref<1x4x4x8x128xf32, #tpu.memory_space<hbm>> -> memref<4x4x8x128xf32, #tpu.memory_space<hbm>>
    %dma_wait3A_30 = arith.constant 0 : i32
    %dma_wait3A_31 = arith.constant 0 : i32
    %dma_wait3A_32 = arith.constant 0 : i32
    %dma_wait3A_33 = arith.constant 0 : i32
    %dma_wait3A_34 = tpu.memref_slice %arg4[%dma_wait3A, %dma_wait3A_30, %dma_wait3A_31, %dma_wait3A_32, %dma_wait3A_33] : memref<50x4x128x8x128xf32, #tpu.memory_space<hbm>> -> memref<1x4x4x8x128xf32, #tpu.memory_space<hbm>>
    %dma_wait3A_35 = tpu.memref_squeeze %dma_wait3A_34 : memref<1x4x4x8x128xf32, #tpu.memory_space<hbm>> -> memref<4x4x8x128xf32, #tpu.memory_space<hbm>>
    %dma_wait3A_36 = arith.constant 0 : i32
    %dma_wait3A_37 = arith.constant 0 : i32
    %dma_wait3A_38 = arith.constant 0 : i32
    %dma_wait3A_39 = arith.constant 0 : i32
    %dma_wait3A_40 = tpu.memref_slice %arg8[%dma_wait3A_36, %dma_wait3A_37, %dma_wait3A_38, %dma_wait3A_39] : memref<4x4x8x129xf32, #tpu.memory_space<vmem>> -> memref<4x4x8x128xf32, #tpu.memory_space<vmem>>
    tpu.wait_dma2 semaphore(%arg12 : memref<!tpu.dma_semaphore, #tpu.memory_space<semaphore_mem>>) src(%dma_wait3A_40 : memref<4x4x8x128xf32, #tpu.memory_space<vmem>>) dst(%dma_wait3A_35 : memref<4x4x8x128xf32, #tpu.memory_space<hbm>>)
    %dma_wait3A_41 = arith.constant 0 : i32
    %dma_wait3A_42 = arith.constant 0 : i32
    %dma_wait3A_43 = arith.constant 0 : i32
    %dma_wait3A_44 = arith.constant 0 : i32
    %dma_wait3A_45 = arith.constant 0 : i32
    %dma_wait3A_46 = tpu.memref_slice %arg9[%dma_wait3A_42, %dma_wait3A_43, %dma_wait3A_44, %dma_wait3A_45] : memref<4x4x8x129xf32, #tpu.memory_space<vmem>> -> memref<4x4x8x128xf32, #tpu.memory_space<vmem>>
    %dma_wait3A_47 = arith.constant 0 : i32
    %dma_wait3A_48 = arith.constant 0 : i32
    %dma_wait3A_49 = arith.constant 0 : i32
    %dma_wait3A_50 = arith.constant 0 : i32
    %dma_wait3A_51 = tpu.memref_slice %arg4[%dma_wait3A_41, %dma_wait3A_47, %dma_wait3A_48, %dma_wait3A_49, %dma_wait3A_50] : memref<50x4x128x8x128xf32, #tpu.memory_space<hbm>> -> memref<1x4x4x8x128xf32, #tpu.memory_space<hbm>>
    %dma_wait3A_52 = tpu.memref_squeeze %dma_wait3A_51 : memref<1x4x4x8x128xf32, #tpu.memory_space<hbm>> -> memref<4x4x8x128xf32, #tpu.memory_space<hbm>>
    %dma_wait3A_53 = arith.constant 0 : i32
    %dma_wait3A_54 = arith.constant 0 : i32
    %dma_wait3A_55 = arith.constant 0 : i32
    %dma_wait3A_56 = arith.constant 0 : i32
    %dma_wait3A_57 = tpu.memref_slice %arg4[%dma_wait3A_41, %dma_wait3A_53, %dma_wait3A_54, %dma_wait3A_55, %dma_wait3A_56] : memref<50x4x128x8x128xf32, #tpu.memory_space<hbm>> -> memref<1x4x4x8x128xf32, #tpu.memory_space<hbm>>
    %dma_wait3A_58 = tpu.memref_squeeze %dma_wait3A_57 : memref<1x4x4x8x128xf32, #tpu.memory_space<hbm>> -> memref<4x4x8x128xf32, #tpu.memory_space<hbm>>
    %dma_wait3A_59 = arith.constant 0 : i32
    %dma_wait3A_60 = arith.constant 0 : i32
    %dma_wait3A_61 = arith.constant 0 : i32
    %dma_wait3A_62 = arith.constant 0 : i32
    %dma_wait3A_63 = tpu.memref_slice %arg9[%dma_wait3A_59, %dma_wait3A_60, %dma_wait3A_61, %dma_wait3A_62] : memref<4x4x8x129xf32, #tpu.memory_space<vmem>> -> memref<4x4x8x128xf32, #tpu.memory_space<vmem>>
    tpu.wait_dma2 semaphore(%arg13 : memref<!tpu.dma_semaphore, #tpu.memory_space<semaphore_mem>>) src(%dma_wait3A_63 : memref<4x4x8x128xf32, #tpu.memory_space<vmem>>) dst(%dma_wait3A_58 : memref<4x4x8x128xf32, #tpu.memory_space<hbm>>)
    return
  }
}

</mosaic_0001>

<sc_bundles>
// kernel: kernel.3.cloned.1.call-start
scs
__scs_entry_jumppad:
0x0: {  	(pc) =	sbr.rel $0x88, $3  }
0x1: {  	(tag) =	ssettag $0x0;
	lr =	simm.s32 $0x1  }
0x2: {  	[smem:$0x3F9F] =	sst lr;
	_ =	strace $0xD0000000  }
0x3: {  	_ = 	snop  }
0x4: {  	_ = 	snop  }
0x5: {  	_ = 	snop  }
0x6: {  	_ = 	snop  }
0x7: {  	_ = 	snop  }
__scs_overlays_trampoline_lowered:
0x8: {  	[smem:$0x3FAE] =	sst s0  }
0x9: {  	[smem:$0x3FAF] =	sst s1  }
0xa: {  	[smem:$0x3FB0] =	sst s2  }
0xb: {  	[smem:$0x3FB1] =	sst s3  }
0xc: {  	[smem:$0x3FB2] =	sst s4  }
0xd: {  	[smem:$0x3FB3] =	sst s5  }
0xe: {  	[smem:$0x3FB4] =	sst s6  }
0xf: {  	[smem:$0x3FB5] =	sst s7  }
0x10: {  	[smem:$0x3FB6] =	sst s8  }
0x11: {  	[smem:$0x3FB7] =	sst s9;
	s0 =	simm.s32 @!p0 $0x0  }
0x12: {  	s1 =	sld [smem:$0x3F9D];
	s0 =	simm.s32 @p0 $0x1  }
0x13: {  	[smem:$0x3FB8] =	sst s0;
	s0 =	simm.s32 @!p1 $0x0  }
0x14: {  	s2 =	sld [smem:$0x3F9C];
	s0 =	simm.s32 @p1 $0x1  }
0x15: {  	[smem:$0x3FB9] =	sst s0;
	s0 =	simm.s32 @!p2 $0x0  }
0x16: {  	s3 =	sld [smem:$0x3FDB];
	s0 =	simm.s32 @p2 $0x1  }
0x17: {  	s4 =	simm.s32 $0x1BF5;
	[smem:$0x3FBB] =	sst s0  }
0x18: {  	s0 =	sld [smem:$0x3F9E];
	_ =	swait.ge [sflag:s4], $0x0  }
0x19: {  	s7 =	sld [smem:$0x3F9F]  }
0x1a: {  	s8 =	sadd.s32 $0xFFFFE003, lr  }
0x1b: {  	s9 =	sadd.s32 $0xFFFFFEF7, lr;
	s5 =	simm.s32 $0xFFFFFFFF;
	p2 =	slt.u32 s8, $0xFFFFF086  }
0x1c: {  	p1 =	slt.u32 s9, $0xF7A;
	s5 =	simm.s32 @!p2 $0x0  }
0x1d: {  	s5 =	simm.s32 @p1 $0x1;
	p0 =	seq.s32 s7, s2  }
0x1e: {  	s7 =	smul.u32 @!p0 $0xF7A, s2;
	p2 =	seq.s32 @!p0 s5, $0x0  }
0x1f: {  	s9 =	smul.u32 $0xF7A, s1;
	s8 =	simm.s32 @!p0 $0x1BF5;
	p2 =	por !p2, p0  }
0x20: {  	[sflag:s8] =	ssyncset.s32 @!p0 $0xFFFFF086;
	s6 =	sadd.s32 @!p0 s3, s7;
	s7 =	simm.s32 @!p0 $0x108  }
0x21: {  	s3 =	sadd.s32 s3, s9;
	s6 =	sadd.s32 @!p0 $0x88, s6;
	s7 =	simm.s32 @p2 $0x1082  }
0x22: {  	[simem:s7], [sflag:s8] =	dma.local @!p0 [hbm:s6], $0xF7A  }
0x23: {  	s9 =	sor.u32 $0xD0000000, s2;
	s6 =	simm.s32 $0x108;
	_ =	swait.ge @!p0 [sflag:s8], $0x0  }
0x24: {  	s3 =	sadd.s32 $0x88, s3;
	s6 =	simm.s32 @!p1 $0x1082;
	[sflag:s4] =	ssyncset.s32 $0xFFFFF086  }
0x25: {  	[simem:s6], [sflag:s4] =	dma.local [hbm:s3], $0xF7A  }
0x26: {  	[smem:$0x3F9F] =	sst s1;
	(tag) =	ssettag s2;
	_ =	strace s9  }
0x27: {  	s1 =	sld [smem:$0x3FAF]  }
0x28: {  	s2 =	sld [smem:$0x3FB0]  }
0x29: {  	s4 =	sld [smem:$0x3FB2]  }
0x2a: {  	p0 =	seq.s32 s5, $0x0;
	s5 =	sld [smem:$0x3FB3]  }
0x2b: {  	s6 =	sld [smem:$0x3FB4]  }
0x2c: {  	s7 =	sld [smem:$0x3FB5]  }
0x2d: {  	s3 =	simm.s32 $0x108;
	s8 =	sld [smem:$0x3FB6]  }
0x2e: {  	s3 =	simm.s32 @!p0 $0x1082;
	s9 =	sld [smem:$0x3FB7]  }
0x2f: {  	lr =	sadd.s32 s0, s3;
	s0 =	sld [smem:$0x3FAE]  }
0x30: {  	s3 =	sld [smem:$0x3FB1]  }
0x31: {  	[smem:$0x3FBA] =	sst s10  }
0x32: {  	s10 =	sld [smem:$0x3FB8];
	_ =	sdelay $0x3  }
0x33: {  	p0 =	seq.s32 s10, $0x1;
	s10 =	sld [smem:$0x3FBA];
	_ =	sdelay $0x3  }
0x34: {  	[smem:$0x3FBA] =	sst s10  }
0x35: {  	s10 =	sld [smem:$0x3FB9];
	_ =	sdelay $0x3  }
0x36: {  	p1 =	seq.s32 s10, $0x1;
	s10 =	sld [smem:$0x3FBA];
	_ =	sdelay $0x3  }
0x37: {  	[smem:$0x3FBA] =	sst s10  }
0x38: {  	s10 =	sld [smem:$0x3FBB]  }
0x39: {  	_ = 	snop;
	(pc) =	sbr.ind lr, $3  }
0x3a: {  	_ = 	snop  }
0x3b: {  	_ = 	snop  }
0x3c: {  	p2 =	seq.s32 s10, $0x1;
	s10 =	sld [smem:$0x3FBA]  }
0x3d: {  	_ =	shalt  }
0x3e: {  	_ =	shalt  }
0x3f: {  	_ =	shalt  }
0x40: {  	_ =	shalt  }
0x41: {  	_ =	shalt  }
0x42: {  	_ =	shalt  }
0x43: {  	_ =	shalt  }
0x44: {  	_ =	shalt  }
0x45: {  	_ =	shalt  }
0x46: {  	_ =	shalt  }
0x47: {  	_ =	shalt  }
0x48: {  	_ =	shalt  }
0x49: {  	_ =	shalt  }
0x4a: {  	_ =	shalt  }
0x4b: {  	_ =	shalt  }
0x4c: {  	_ =	shalt  }
0x4d: {  	_ =	shalt  }
0x4e: {  	_ =	shalt  }
0x4f: {  	_ =	shalt  }
0x50: {  	_ =	shalt  }
0x51: {  	_ =	shalt  }
0x52: {  	_ =	shalt  }
0x53: {  	_ =	shalt  }
0x54: {  	_ =	shalt  }
0x55: {  	_ =	shalt  }
0x56: {  	_ =	shalt  }
0x57: {  	_ =	shalt  }
0x58: {  	_ =	shalt  }
0x59: {  	_ =	shalt  }
0x5a: {  	_ =	shalt  }
0x5b: {  	_ =	shalt  }
0x5c: {  	_ =	shalt  }
0x5d: {  	_ =	shalt  }
0x5e: {  	_ =	shalt  }
0x5f: {  	_ =	shalt  }
0x60: {  	_ =	shalt  }
0x61: {  	_ =	shalt  }
0x62: {  	_ =	shalt  }
0x63: {  	_ =	shalt  }
0x64: {  	_ =	shalt  }
0x65: {  	_ =	shalt  }
0x66: {  	_ =	shalt  }
0x67: {  	_ =	shalt  }
0x68: {  	_ =	shalt  }
0x69: {  	_ =	shalt  }
0x6a: {  	_ =	shalt  }
0x6b: {  	_ =	shalt  }
0x6c: {  	_ =	shalt  }
0x6d: {  	_ =	shalt  }
0x6e: {  	_ =	shalt  }
0x6f: {  	_ =	shalt  }
0x70: {  	_ =	shalt  }
0x71: {  	_ =	shalt  }
0x72: {  	_ =	shalt  }
0x73: {  	_ =	shalt  }
0x74: {  	_ =	shalt  }
0x75: {  	_ =	shalt  }
0x76: {  	_ =	shalt  }
0x77: {  	_ =	shalt  }
0x78: {  	_ =	shalt  }
0x79: {  	_ =	shalt  }
0x7a: {  	_ =	shalt  }
0x7b: {  	_ =	shalt  }
0x7c: {  	_ =	shalt  }
0x7d: {  	_ =	shalt  }
0x7e: {  	_ =	shalt  }
0x7f: {  	_ =	shalt  }
0x80: {  	_ =	shalt  }
0x81: {  	_ =	shalt  }
0x82: {  	_ =	shalt  }
0x83: {  	_ =	shalt  }
0x84: {  	_ =	shalt  }
0x85: {  	_ =	shalt  }
0x86: {  	_ =	shalt  }
0x87: {  	_ =	shalt  }
.Lfunc_end0:
.L_simem_size_0:
called_computation_lowered:
.L_overlay_start_0:
0x88: {  	s2 =	sld [smem:$0x3FD9]  }
0x89: {  	s3 =	sld [smem:$0x3FFE];
	_ =	sdelay $0x1  }
0x8a: {  	s1 =	srdreg.scid  }
0x8b: {  	s0 =	sand.u32 $0x1, s1  }
0x8c: {  	s17 =	sshll.u32 s0, $0xA;
	s2 =	sadd.s32 s3, s2  }
0x8d: {  	s2 =	sadd.s32 s2, s17  }
0x8e: {  	[smem:$0x3FC6] =	sst s2  }
0x8f: {  	_ = 	snop  }
0x90: {  	s2 =	sld [smem:$0x3FD0];
	(tm) =	ssettm $0x1  }
0x91: {  	s18 =	sld [smem:$0x3FFB];
	_ =	sdelay $0x3  }
0x92: {  	_ =	strace s18  }
0x93: {  	s3 =	sld [smem:$0x3FFC];
	_ =	sdelay $0x3  }
0x94: {  	_ =	strace s3  }
0x95: {  	s3 =	sld [smem:$0x3FFD];
	_ =	sdelay $0x3  }
0x96: {  	_ =	strace s3  }
0x97: {  	_ =	strace $0x8FFFFFFF  }
0x98: {  	s19 =	sld [smem:$0x3FDB];
	_ =	sdelay $0x1  }
0x99: {  	s4 =	simm.s32 $_scs_section_size  }
0x9a: {  	s5 =	simm.s32 $_size__tile_overlayer_lowered;
	s6 =	simm.s32 $_tile_overlayer_lowered  }
0x9b: {  	s22 =	simm.s32 $0x1BFF;
	s21 =	sshll.u32 s6, $0x1;
	s3 =	sadd.s32 s4, s19  }
0x9c: {  	s7 =	simm.s32 $0x0;
	s20 =	sshll.u32 s5, $0x1;
	s5 =	sadd.s32 s21, s3  }
0x9d: {  	[timem:s7], [sflag:s22] =	dma.local [hbm:s5], s20  }
0x9e: {  	_ =	swait.ge [sflag:s22], s20  }
0x9f: {  	s4 =	ssub.s32 $0x0, s20;
	[sflag:s22] =	ssyncset.done $0x0  }
0xa0: {  	[sflag:s22] =	ssyncadd.s32 s4;
	_ =	sdelay $0x1  }
0xa1: {  	s23 =	simm.s32 $0x1B8B  }
0xa2: {  	_ =	swait.ge [sflag:s23], $0x1  }
0xa3: {  	[sflag:s23] =	ssyncset.done $0x0  }
0xa4: {  	s25 =	simm.s32 $0x1B8E;
	s24 =	sld [smem:$0x3FFE];
	[sflag:s23] =	ssyncadd.s32 $0xFFFFFFFF  }
0xa5: {  	s26 =	simm.s32 $execute0_lowered;
	[smem:$0x3FD2] =	sst s25  }
0xa6: {  	s5 =	sshll.u32 s26, $0x1;
	_ =	strace $0x80000046;
	[dreg:$0x1] =	wrdreg $0xFFFFFFFF  }
0xa7: {  	s28 =	simm.s32 $_size_execute0_lowered;
	s3 =	sadd.s32 s3, s5;
	[dreg:$0x0] =	wrdreg $0x0  }
0xa8: {  	s5 =	sshll.u32 s28, $0x1;
	[dreg:$0x2] =	wrdreg s3  }
0xa9: {  	[dreg:$0x3] =	wrdreg s5  }
0xaa: {  	[dreg:$0x4] =	wrdreg $0xC0  }
0xab: {  	_ =	task [dreg:s7], $0x5FFFF  }
0xac: {  	[dreg:$0x1] =	wrdreg $0xFFFFFFFF  }
0xad: {  	[dreg:$0x0] =	wrdreg $0x60  }
0xae: {  	[dreg:$0x2] =	wrdreg s24  }
0xaf: {  	[dreg:$0x3] =	wrdreg s2  }
0xb0: {  	[dreg:$0x4] =	wrdreg $0x9  }
0xb1: {  	_ =	task.clear_ibuf [dreg:s7], $0x5FFFF;
	_ =	strace $0x90000046  }
0xb2: {  	s29 =	simm.s32 $0x9;
	_ =	strace $0x80000048  }
0xb3: {  	_ =	swait.ge [sflag:s29], $0x1  }
0xb4: {  	[sflag:s29] =	ssyncadd.s32 $0xFFFFFFFF  }
0xb5: {  	_ =	strace $0x90000048  }
0xb6: {  	_ =	sfence  }
0xb7: {  	s30 =	sld [smem:$0x0];
	_ =	sdelay $0x2  }
0xb8: {  	s31 =	sshll.u32 s1, $0xD;
	s1 =	sshrl.u32 s1, $0x2  }
0xb9: {  	s3 =	sand.u32 $0x4000, s31;
	s1 =	sadd.s32 s1, s30  }
0xba: {  	s0 =	sor.u32 s3, s0;
	s1 =	sshll.u32 s1, $0x11  }
0xbb: {  	s0 =	sor.u32 s1, s0  }
0xbc: {  	s0 =	sadd.s32 $0x8F2B, s0  }
0xbd: {  	[sflag:s0] =	ssyncadd.remote.s32 $0x1  }
0xbe: {  	_ =	sfence.sel $0xFFFF  }
0xbf: {  	[dreg:$0x0] =	wrdreg $0xFFFFFFFF;
	(pc) =	sbr.abs _section_cstart, $3  }
0xc0: {  	[dreg:$0x1] =	wrdreg $0xFFFFFFFF  }
0xc1: {  	_ =	task.clear_ibuf [dreg:s7], $0x2FFFF;
	_ =	strace $0x9FFFFFFF  }
0xc2: {  	(tm) =	ssettm $0x7FFFFFFF  }
0xc3: {  	_ =	shalt  }
tec
execute0_lowered:
.L_overlay_start_1:
0x0: {  	(tag) =	ssettag $0x1  }
0x1: {  	v0 =	vimm.s32 $0x14B8;
	vm12 =	vcmask $0x300  }
0x2: {  	v1 =	vimm.s32 $0x36B8;
	vm13 =	vcmask $0x704;
	vm14 =	vcmask $0xB08  }
0x3: {  	vm11 =	vcmask $0xF0C;
	vm10 =	vcmask $0x1310;
	vm9 =	vcmask $0x1714  }
0x4: {  	vm8 =	vcmask $0x1B18;
	vm7 =	vcmask $0x1F1C;
	vm6 =	vcmask $0x2320  }
0x5: {  	vm5 =	vcmask $0x2724;
	vm4 =	vcmask $0x2B28;
	vm3 =	vcmask $0x2F2C  }
0x6: {  	vm2 =	vcmask $0x3330;
	vm1 =	vcmask $0x3734;
	vm0 =	vcmask $0x3B38  }
0x7: {  	v2 =	vimm.s32 $0x18F8;
	v3 =	vimm.s32 $0x3AF8;
	v4 =	vimm.s32 $0x1D38  }
0x8: {  	v5 =	vimm.s32 $0x3F38;
	v6 =	vimm.s32 $0x2178;
	v7 =	vimm.s32 $0x4378  }
0x9: {  	v0 =	vsel vm12, $0x0, v0;
	v1 =	vsel vm12, $0x2200, v1;
	v2 =	vsel vm12, $0x440, v2  }
0xa: {  	v3 =	vsel vm12, $0x2640, v3;
	v4 =	vsel vm12, $0x880, v4;
	v5 =	vsel vm12, $0x2A80, v5  }
0xb: {  	v6 =	vsel vm12, $0xCC0, v6;
	v7 =	vsel vm12, $0x2EC0, v7;
	v0 =	vsel vm13, $0x88, v0  }
0xc: {  	v1 =	vsel vm13, $0x2288, v1;
	v2 =	vsel vm13, $0x4C8, v2;
	v3 =	vsel vm13, $0x26C8, v3  }
0xd: {  	v4 =	vsel vm13, $0x908, v4;
	v5 =	vsel vm13, $0x2B08, v5;
	v6 =	vsel vm13, $0xD48, v6  }
0xe: {  	v7 =	vsel vm13, $0x2F48, v7;
	v0 =	vsel vm14, $0x110, v0;
	v1 =	vsel vm14, $0x2310, v1  }
0xf: {  	v2 =	vsel vm14, $0x550, v2;
	v3 =	vsel vm14, $0x2750, v3;
	v4 =	vsel vm14, $0x990, v4  }
0x10: {  	v5 =	vsel vm14, $0x2B90, v5;
	v6 =	vsel vm14, $0xDD0, v6;
	v7 =	vsel vm14, $0x2FD0, v7  }
0x11: {  	v0 =	vsel vm11, $0x198, v0;
	v1 =	vsel vm11, $0x2398, v1;
	v2 =	vsel vm11, $0x5D8, v2  }
0x12: {  	v3 =	vsel vm11, $0x27D8, v3;
	v4 =	vsel vm11, $0xA18, v4;
	v5 =	vsel vm11, $0x2C18, v5  }
0x13: {  	v6 =	vsel vm11, $0xE58, v6;
	v7 =	vsel vm11, $0x3058, v7;
	v0 =	vsel vm10, $0x220, v0  }
0x14: {  	v1 =	vsel vm10, $0x2420, v1;
	v2 =	vsel vm10, $0x660, v2;
	v3 =	vsel vm10, $0x2860, v3  }
0x15: {  	v4 =	vsel vm10, $0xAA0, v4;
	v5 =	vsel vm10, $0x2CA0, v5;
	v6 =	vsel vm10, $0xEE0, v6  }
0x16: {  	v7 =	vsel vm10, $0x30E0, v7;
	v0 =	vsel vm9, $0x2A8, v0;
	v1 =	vsel vm9, $0x24A8, v1  }
0x17: {  	v2 =	vsel vm9, $0x6E8, v2;
	v3 =	vsel vm9, $0x28E8, v3;
	v4 =	vsel vm9, $0xB28, v4  }
0x18: {  	v5 =	vsel vm9, $0x2D28, v5;
	v6 =	vsel vm9, $0xF68, v6;
	v7 =	vsel vm9, $0x3168, v7  }
0x19: {  	v0 =	vsel vm8, $0x330, v0;
	v1 =	vsel vm8, $0x2530, v1;
	v2 =	vsel vm8, $0x770, v2  }
0x1a: {  	v3 =	vsel vm8, $0x2970, v3;
	v4 =	vsel vm8, $0xBB0, v4;
	v5 =	vsel vm8, $0x2DB0, v5  }
0x1b: {  	v6 =	vsel vm8, $0xFF0, v6;
	v7 =	vsel vm8, $0x31F0, v7;
	v0 =	vsel vm7, $0x3B8, v0  }
0x1c: {  	v1 =	vsel vm7, $0x25B8, v1;
	v2 =	vsel vm7, $0x7F8, v2;
	v3 =	vsel vm7, $0x29F8, v3  }
0x1d: {  	v4 =	vsel vm7, $0xC38, v4;
	v5 =	vsel vm7, $0x2E38, v5;
	v6 =	vsel vm7, $0x1078, v6  }
0x1e: {  	v7 =	vsel vm7, $0x3278, v7;
	v0 =	vsel vm6, $0x1100, v0;
	v1 =	vsel vm6, $0x3300, v1  }
0x1f: {  	v2 =	vsel vm6, $0x1540, v2;
	v3 =	vsel vm6, $0x3740, v3;
	v4 =	vsel vm6, $0x1980, v4  }
0x20: {  	v5 =	vsel vm6, $0x3B80, v5;
	v6 =	vsel vm6, $0x1DC0, v6;
	v7 =	vsel vm6, $0x3FC0, v7  }
0x21: {  	v0 =	vsel vm5, $0x1188, v0;
	v1 =	vsel vm5, $0x3388, v1;
	v2 =	vsel vm5, $0x15C8, v2  }
0x22: {  	v3 =	vsel vm5, $0x37C8, v3;
	v4 =	vsel vm5, $0x1A08, v4;
	v5 =	vsel vm5, $0x3C08, v5  }
0x23: {  	v6 =	vsel vm5, $0x1E48, v6;
	v7 =	vsel vm5, $0x4048, v7;
	v0 =	vsel vm4, $0x1210, v0  }
0x24: {  	v1 =	vsel vm4, $0x3410, v1;
	v2 =	vsel vm4, $0x1650, v2;
	v3 =	vsel vm4, $0x3850, v3  }
0x25: {  	v4 =	vsel vm4, $0x1A90, v4;
	v5 =	vsel vm4, $0x3C90, v5;
	v6 =	vsel vm4, $0x1ED0, v6  }
0x26: {  	s4 =	rddreg [dreg:$0x0];
	s1 =	srdreg.scid;
	v7 =	vsel vm4, $0x40D0, v7;
	v0 =	vsel vm3, $0x1298, v0;
	v1 =	vsel vm3, $0x3498, v1  }
0x27: {  	s0 =	stileid.u32;
	s2 =	rddreg [dreg:$0x1];
	s3 =	simm.s32 $0x0;
	v2 =	vsel vm3, $0x16D8, v2;
	v3 =	vsel vm3, $0x38D8, v3;
	v4 =	vsel vm3, $0x1B18, v4  }
0x28: {  	s9 =	simm.s32 $0x200;
	s10 =	simm.s32 $0x6400;
	s11 =	simm.s32 $0xA400;
	v5 =	vsel vm3, $0x3D18, v5;
	v6 =	vsel vm3, $0x1F58, v6;
	v7 =	vsel vm3, $0x4158, v7  }
0x29: {  	s12 =	simm.s32 $0x1;
	s13 =	simm.s32 $0xE400;
	s14 =	simm.s32 $0x2;
	v0 =	vsel vm2, $0x1320, v0;
	v1 =	vsel vm2, $0x3520, v1;
	v2 =	vsel vm2, $0x1760, v2  }
0x2a: {  	s15 =	simm.s32 $0x12800;
	s16 =	simm.s32 $0x3;
	s17 =	simm.s32 $0x4;
	v3 =	vsel vm2, $0x3960, v3;
	v4 =	vsel vm2, $0x1BA0, v4;
	v5 =	vsel vm2, $0x3DA0, v5  }
0x2b: {  	s18 =	simm.s32 $0x0;
	s5 =	sand.u32 $0x1, s1;
	s6 =	sshll.u32 s0, $0x1;
	v6 =	vsel vm2, $0x1FE0, v6;
	v7 =	vsel vm2, $0x41E0, v7;
	v0 =	vsel vm1, $0x13A8, v0  }
.Ltmp0:
0x2c: {  	s1 =	rddreg [dreg:$0x2];
	s6 =	sor.u32 s5, s6;
	v1 =	vsel vm1, $0x35A8, v1;
	v2 =	vsel vm1, $0x17E8, v2;
	v3 =	vsel vm1, $0x39E8, v3;
	(pc) =	sbr.rel .LBB2_1-.Ltmp0, $4  }
0x2d: {  	[smem:$0x7FF] =	sst s3;
	s5 =	ssub.s32 $0x2, s5;
	s7 =	smul.u32 $0xC80, s6;
	v4 =	vsel vm1, $0x1C28, v4;
	v5 =	vsel vm1, $0x3E28, v5;
	v6 =	vsel vm1, $0x2068, v6  }
0x2e: {  	_ =	strace $0x80000047;
	s8 =	sshrl.u32 s5, $0x1;
	s6 =	smul.u32 $0x32, s6;
	v7 =	vsel vm1, $0x4268, v7;
	v0 =	vsel vm0, $0x1430, v0;
	v1 =	vsel vm0, $0x3630, v1  }
0x2f: {  	s8 =	ssub.s32 s5, s8;
	s7 =	sadd.s32 s7, s4;
	s4 =	sadd.s32 $0xF42A00, s4;
	v2 =	vsel vm0, $0x1870, v2;
	v3 =	vsel vm0, $0x3A70, v3;
	v4 =	vsel vm0, $0x1CB0, v4  }
0x30: {  	s5 =	sadd.s32 $0x600, s7;
	s7 =	smax.u32 s8, $0x1;
	s8 =	simm.s32 $0x5;
	v5 =	vsel vm0, $0x3EB0, v5;
	v6 =	vsel vm0, $0x20F0, v6;
	v7 =	vsel vm0, $0x42F0, v7  }
.LBB2_47:
0x31: {  	s18 =	sadd.s32 $0x1, s18  }
0x32: {  	_ =	swait.ge [sflag:s16], $0x4000;
	p0 =	sne.s32 s18, s7  }
.Ltmp1:
0x33: {  	[sflag:s16] =	ssyncset.done $0x0;
	(pc) =	sbr.rel @!p0 .LBB2_48-.Ltmp1, $4  }
0x34: {  	[sflag:s16] =	ssyncadd.s32 $0xFFFFC000  }
0x35: {  	_ =	swait.ge [sflag:s17], $0x4000  }
0x36: {  	[sflag:s17] =	ssyncset.done $0x0  }
0x37: {  	[sflag:s17] =	ssyncadd.s32 $0xFFFFC000  }
.LBB2_1:
0x38: {  	[tilespmem:s3], [sflag:$0x5] =	stream.linear.gather [hbm4b:s5+s3], $0x6400, $0x38;
	[tilespmem:$0x16C00] =	vst v63  }
0x39: {  	_ =	swait.ge [sflag:s8], $0x6400  }
0x3a: {  	[sflag:s8] =	ssyncset.done $0x0  }
0x3b: {  	s19 =	simm.s32 $0x0;
	[sflag:s8] =	ssyncadd.s32 $0xFFFF9C00  }
0x3c: {  	[tilespmem:s10], [sflag:$0x1] =	stream.indirect.gather [hbm4b:s4+s9], $0x20, s3, s9, $0xb8;
	[tilespmem:$0x16C00] =	vst v63  }
.LBB2_2:
0x3d: {  	p0 =	seq.s32 s19, $0x0  }
0x3e: {  	s21 =	simm.s32 @!p0 $0x4  }
0x3f: {  	s20 =	sshllo.u32 s19, $0x1;
	_ =	swait.ge @!p0 [sflag:s21], $0x4000  }
0x40: {  	s22 =	sshll.u32 s20, $0x9;
	[sflag:s21] =	ssyncset.done @!p0 $0x0  }
0x41: {  	s31 =	sand.u32 $0x3FFFFE00, s22;
	[sflag:s21] =	ssyncadd.s32 @!p0 $0xFFFFC000  }
0x42: {  	[tilespmem:s11], [sflag:$0x2] =	stream.indirect.gather [hbm4b:s4+s9], $0x20, s31, s9, $0xb8;
	[tilespmem:$0x16C00] =	vst v63  }
0x43: {  	_ =	swait.ge [sflag:s12], $0x4000  }
0x44: {  	v10 =	vimm.s32 $0x0;
	[sflag:s12] =	ssyncset.done $0x0  }
0x45: {  	s23 =	simm.s32 $0x0;
	v8 =	vand.u32 $0xFFFFFFF8, v10;
	[sflag:s12] =	ssyncadd.s32 $0xFFFFC000  }
0x46: {  	v9 =	vand.u32 $0x4, v10;
	v12 =	vadd.s32 v0, v8;
	v11 =	vld [tilespmem:s23+$0x6400]  }
0x47: {  	v13 =	vadd.s32 v1, v8;
	v14 =	vor.u32 v9, v12;
	v8 =	vld [tilespmem:s23+$0x6410]  }
0x48: {  	v15 =	vor.u32 v9, v13;
	_ =	sdelay $0x2  }
0x49: {  	v11 =	vmax.f32 v11, $0.0e+00  }
0x4a: {  	v8 =	vmax.f32 v8, $0.0e+00;
	[tilespmem:v14+s13+$0x0] =	vst.idx.msk $0xffff, v11  }
0x4b: {  	[tilespmem:v15+s13+$0x0] =	vst.idx.msk $0xffff, v8  }
0x4c: {  	v8 =	vor.u32 $0x1, v9;
	v11 =	vld [tilespmem:s23+$0x6420]  }
0x4d: {  	v14 =	vor.u32 v8, v12;
	v15 =	vld [tilespmem:s23+$0x6430]  }
0x4e: {  	v8 =	vor.u32 v8, v13;
	_ =	sdelay $0x2  }
0x4f: {  	v11 =	vmax.f32 v11, $0.0e+00  }
0x50: {  	[tilespmem:v14+s13+$0x0] =	vst.idx.msk $0xffff, v11;
	v11 =	vmax.f32 v15, $0.0e+00  }
0x51: {  	[tilespmem:v8+s13+$0x0] =	vst.idx.msk $0xffff, v11  }
0x52: {  	v11 =	vor.u32 $0x2, v9;
	v8 =	vld [tilespmem:s23+$0x6440]  }
0x53: {  	v14 =	vld [tilespmem:s23+$0x6450];
	v15 =	vor.u32 v11, v12  }
0x54: {  	v11 =	vor.u32 v11, v13;
	_ =	sdelay $0x2  }
0x55: {  	v8 =	vmax.f32 v8, $0.0e+00  }
0x56: {  	[tilespmem:v15+s13+$0x0] =	vst.idx.msk $0xffff, v8;
	v8 =	vmax.f32 v14, $0.0e+00  }
0x57: {  	[tilespmem:v11+s13+$0x0] =	vst.idx.msk $0xffff, v8  }
0x58: {  	v14 =	vor.u32 $0x3, v9;
	v15 =	vld [tilespmem:s23+$0x6460]  }
0x59: {  	v16 =	vor.u32 v14, v12;
	v17 =	vld [tilespmem:s23+$0x6470]  }
0x5a: {  	v14 =	vor.u32 v14, v13;
	_ =	sdelay $0x2  }
0x5b: {  	s25 =	simm.s32 $0x400;
	v8 =	vadd.s32 $0x4, v10;
	v15 =	vmax.f32 v15, $0.0e+00  }
0x5c: {  	s24 =	simm.s32 $0x80;
	s22 =	simm.s32 $0x80;
	s21 =	sshll.u32 s19, $0x1;
	v11 =	vand.u32 $0x4, v8;
	v12 =	vadd.s32 $0x4, v8;
	v13 =	vmovc v8;
	[tilespmem:v16+s13+$0x0] =	vst.idx.msk $0xffff, v15;
	v15 =	vmax.f32 v17, $0.0e+00  }
.LBB2_3:
0x5d: {  	s26 =	sshra.s32 s25, $0x2;
	v16 =	vand.u32 $0x4, v12;
	p0 =	sne.s32 s25, $0x3E00;
	s25 =	sadd.s32 $0x200, s25;
	v17 =	vand.u32 $0xFFFFFFF8, v13;
	v18 =	vor.u32 $0x3, v11;
	[tilespmem:v14+s13+$0x0] =	vst.idx.msk $0xffff, v15;
	v13 =	vmovc v12  }
0x5e: {  	v19 =	vor.u32 $0x1, v11;
	v14 =	vld [tilespmem:s24+$0x6400];
	v15 =	vadd.s32 v0, v17;
	v17 =	vadd.s32 v1, v17  }
0x5f: {  	v20 =	vld [tilespmem:s24+$0x6410];
	v21 =	vor.u32 v11, v15;
	v22 =	vor.u32 v19, v15;
	v23 =	vor.u32 v18, v15  }
0x60: {  	v24 =	vor.u32 v11, v17;
	v19 =	vor.u32 v19, v17;
	_ =	sdelay $0x2  }
0x61: {  	v14 =	vmax.f32 v14, $0.0e+00  }
0x62: {  	[tilespmem:v21+s13+$0x0] =	vst.idx.msk $0xffff, v14;
	v14 =	vmax.f32 v20, $0.0e+00  }
0x63: {  	[tilespmem:v24+s13+$0x0] =	vst.idx.msk $0xffff, v14  }
0x64: {  	v14 =	vld [tilespmem:s24+$0x6420]  }
0x65: {  	v20 =	vld [tilespmem:s24+$0x6430];
	_ =	sdelay $0x3  }
0x66: {  	v14 =	vmax.f32 v14, $0.0e+00  }
0x67: {  	[tilespmem:v22+s13+$0x0] =	vst.idx.msk $0xffff, v14;
	v14 =	vmax.f32 v20, $0.0e+00  }
0x68: {  	[tilespmem:v19+s13+$0x0] =	vst.idx.msk $0xffff, v14  }
0x69: {  	v19 =	vor.u32 $0x2, v11;
	v11 =	vmov v16;
	v14 =	vld [tilespmem:s24+$0x6440]  }
0x6a: {  	v15 =	vor.u32 v19, v15;
	v16 =	vld [tilespmem:s24+$0x6450]  }
0x6b: {  	v19 =	vor.u32 v19, v17;
	_ =	sdelay $0x2  }
0x6c: {  	v14 =	vmax.f32 v14, $0.0e+00  }
0x6d: {  	[tilespmem:v15+s13+$0x0] =	vst.idx.msk $0xffff, v14;
	v14 =	vmax.f32 v16, $0.0e+00  }
0x6e: {  	[tilespmem:v19+s13+$0x0] =	vst.idx.msk $0xffff, v14  }
0x6f: {  	v15 =	vld [tilespmem:s24+$0x6460]  }
0x70: {  	v16 =	vld [tilespmem:s24+$0x6470];
	s24 =	smov.u32 s26  }
.Ltmp2:
0x71: {  	v14 =	vor.u32 v18, v17;
	(pc) =	sbr.rel @p0 .LBB2_3-.Ltmp2, $3  }
0x72: {  	_ =	sdelay $0x1  }
0x73: {  	v15 =	vmax.f32 v15, $0.0e+00  }
0x74: {  	v12 =	vadd.s32 $0x4, v12;
	[tilespmem:v23+s13+$0x0] =	vst.idx.msk $0xffff, v15;
	v15 =	vmax.f32 v16, $0.0e+00  }
0x75: {  	_ =	sdelay $0x3  }
0x76: {  	v12 =	vand.u32 $0xFFFFFFF8, v13;
	[tilespmem:v14+s13+$0x0] =	vst.idx.msk $0xffff, v15  }
0x77: {  	v43 =	vld [tilespmem:s24+$0x6400];
	v44 =	vadd.s32 v0, v12  }
0x78: {  	v12 =	vadd.s32 v1, v12;
	v15 =	vld [tilespmem:s24+$0x6410];
	v16 =	vor.u32 v11, v44  }
0x79: {  	v17 =	vor.u32 v11, v12;
	_ =	sdelay $0x2  }
0x7a: {  	v13 =	vmax.f32 v43, $0.0e+00  }
0x7b: {  	v45 =	vmax.f32 v15, $0.0e+00;
	[tilespmem:v16+s13+$0x0] =	vst.idx.msk $0xffff, v13  }
0x7c: {  	[tilespmem:v17+s13+$0x0] =	vst.idx.msk $0xffff, v45  }
0x7d: {  	v46 =	vor.u32 $0x1, v11;
	v47 =	vld [tilespmem:s24+$0x6420]  }
0x7e: {  	v48 =	vor.u32 v46, v44;
	v17 =	vld [tilespmem:s24+$0x6430]  }
0x7f: {  	v13 =	vor.u32 v46, v12;
	_ =	sdelay $0x2  }
0x80: {  	v15 =	vmax.f32 v47, $0.0e+00  }
0x81: {  	v49 =	vmax.f32 v17, $0.0e+00;
	[tilespmem:v48+s13+$0x0] =	vst.idx.msk $0xffff, v15  }
0x82: {  	[tilespmem:v13+s13+$0x0] =	vst.idx.msk $0xffff, v49  }
0x83: {  	v50 =	vor.u32 $0x2, v11;
	v13 =	vld [tilespmem:s24+$0x6440]  }
0x84: {  	v51 =	vor.u32 v50, v44;
	v16 =	vld [tilespmem:s24+$0x6450]  }
0x85: {  	v15 =	vor.u32 v50, v12;
	_ =	sdelay $0x2  }
0x86: {  	v13 =	vmax.f32 v13, $0.0e+00  }
0x87: {  	v52 =	vmax.f32 v16, $0.0e+00;
	[tilespmem:v51+s13+$0x0] =	vst.idx.msk $0xffff, v13  }
0x88: {  	[tilespmem:v15+s13+$0x0] =	vst.idx.msk $0xffff, v52  }
0x89: {  	v11 =	vor.u32 $0x3, v11;
	v13 =	vld [tilespmem:s24+$0x6460]  }
0x8a: {  	v14 =	vor.u32 v11, v44;
	v15 =	vld [tilespmem:s24+$0x6470]  }
0x8b: {  	v11 =	vor.u32 v11, v12;
	_ =	sdelay $0x2  }
0x8c: {  	v53 =	vmax.f32 v13, $0.0e+00  }
0x8d: {  	v54 =	vmax.f32 v15, $0.0e+00;
	[tilespmem:v14+s13+$0x0] =	vst.idx.msk $0xffff, v53  }
0x8e: {  	v10 =	vand.u32 $0xFFFFFFF8, v10;
	[tilespmem:v11+s13+$0x0] =	vst.idx.msk $0xffff, v54  }
0x8f: {  	v55 =	vadd.s32 v2, v10;
	v11 =	vld [tilespmem:s23+$0x7400]  }
0x90: {  	v10 =	vadd.s32 v3, v10;
	v57 =	vor.u32 v9, v55;
	v56 =	vld [tilespmem:s23+$0x7410]  }
0x91: {  	v58 =	vor.u32 v9, v10;
	_ =	sdelay $0x2  }
0x92: {  	v11 =	vmax.f32 v11, $0.0e+00  }
0x93: {  	[tilespmem:v57+s13+$0x0] =	vst.idx.msk $0xffff, v11;
	v11 =	vmax.f32 v56, $0.0e+00  }
0x94: {  	[tilespmem:v58+s13+$0x0] =	vst.idx.msk $0xffff, v11  }
0x95: {  	v59 =	vor.u32 $0x1, v9;
	v11 =	vld [tilespmem:s23+$0x7420]  }
0x96: {  	v60 =	vor.u32 v59, v55;
	v14 =	vld [tilespmem:s23+$0x7430]  }
0x97: {  	v13 =	vor.u32 v59, v10;
	_ =	sdelay $0x2  }
0x98: {  	v11 =	vmax.f32 v11, $0.0e+00  }
0x99: {  	[tilespmem:v60+s13+$0x0] =	vst.idx.msk $0xffff, v11;
	v11 =	vmax.f32 v14, $0.0e+00  }
0x9a: {  	[tilespmem:v13+s13+$0x0] =	vst.idx.msk $0xffff, v11  }
0x9b: {  	v61 =	vor.u32 $0x2, v9;
	v11 =	vld [tilespmem:s23+$0x7440]  }
0x9c: {  	v63 =	vor.u32 v61, v55;
	v62 =	vld [tilespmem:s23+$0x7450]  }
0x9d: {  	v13 =	vor.u32 v61, v10;
	_ =	sdelay $0x2  }
0x9e: {  	v11 =	vmax.f32 v11, $0.0e+00  }
0x9f: {  	[tilespmem:v63+s13+$0x0] =	vst.idx.msk $0xffff, v11;
	v11 =	vmax.f32 v62, $0.0e+00  }
0xa0: {  	[tilespmem:v13+s13+$0x0] =	vst.idx.msk $0xffff, v11  }
0xa1: {  	v9 =	vor.u32 $0x3, v9;
	v11 =	vld [tilespmem:s23+$0x7460]  }
0xa2: {  	v12 =	vor.u32 v9, v55;
	v13 =	vld [tilespmem:s23+$0x7470]  }
0xa3: {  	v9 =	vor.u32 v9, v10;
	_ =	sdelay $0x2  }
0xa4: {  	v11 =	vmax.f32 v11, $0.0e+00  }
0xa5: {  	s23 =	simm.s32 $0x400;
	v10 =	vmax.f32 v13, $0.0e+00;
	[tilespmem:v12+s13+$0x0] =	vst.idx.msk $0xffff, v11  }
.LBB2_5:
0xa6: {  	s24 =	sshra.s32 s23, $0x2;
	p0 =	sne.s32 s23, $0x3E00;
	s23 =	sadd.s32 $0x200, s23;
	v11 =	vand.u32 $0xFFFFFFF8, v8;
	[tilespmem:v9+s13+$0x0] =	vst.idx.msk $0xffff, v10  }
0xa7: {  	v10 =	vand.u32 $0x4, v8;
	v9 =	vld [tilespmem:s22+$0x7400];
	v12 =	vadd.s32 v2, v11  }
0xa8: {  	v11 =	vadd.s32 v3, v11;
	v13 =	vld [tilespmem:s22+$0x7410];
	v14 =	vor.u32 v10, v12  }
0xa9: {  	v15 =	vor.u32 v10, v11;
	_ =	sdelay $0x2  }
0xaa: {  	v9 =	vmax.f32 v9, $0.0e+00  }
0xab: {  	[tilespmem:v14+s13+$0x0] =	vst.idx.msk $0xffff, v9;
	v9 =	vmax.f32 v13, $0.0e+00  }
0xac: {  	[tilespmem:v15+s13+$0x0] =	vst.idx.msk $0xffff, v9  }
0xad: {  	v13 =	vor.u32 $0x1, v10;
	v9 =	vld [tilespmem:s22+$0x7420]  }
0xae: {  	v15 =	vor.u32 v13, v12;
	v14 =	vld [tilespmem:s22+$0x7430]  }
0xaf: {  	v13 =	vor.u32 v13, v11;
	_ =	sdelay $0x2  }
0xb0: {  	v9 =	vmax.f32 v9, $0.0e+00  }
0xb1: {  	[tilespmem:v15+s13+$0x0] =	vst.idx.msk $0xffff, v9;
	v9 =	vmax.f32 v14, $0.0e+00  }
0xb2: {  	[tilespmem:v13+s13+$0x0] =	vst.idx.msk $0xffff, v9  }
0xb3: {  	v13 =	vor.u32 $0x2, v10;
	v9 =	vld [tilespmem:s22+$0x7440]  }
0xb4: {  	v15 =	vor.u32 v13, v12;
	v14 =	vld [tilespmem:s22+$0x7450]  }
0xb5: {  	v13 =	vor.u32 v13, v11;
	_ =	sdelay $0x2  }
0xb6: {  	v9 =	vmax.f32 v9, $0.0e+00  }
0xb7: {  	[tilespmem:v15+s13+$0x0] =	vst.idx.msk $0xffff, v9;
	v9 =	vmax.f32 v14, $0.0e+00  }
0xb8: {  	[tilespmem:v13+s13+$0x0] =	vst.idx.msk $0xffff, v9  }
0xb9: {  	v9 =	vor.u32 $0x3, v10;
	v13 =	vld [tilespmem:s22+$0x7460]  }
0xba: {  	v12 =	vor.u32 v9, v12;
	v10 =	vld [tilespmem:s22+$0x7470];
	s22 =	smov.u32 s24  }
.Ltmp3:
0xbb: {  	v9 =	vor.u32 v9, v11;
	(pc) =	sbr.rel @p0 .LBB2_5-.Ltmp3, $3  }
0xbc: {  	_ =	sdelay $0x1  }
0xbd: {  	v11 =	vmax.f32 v13, $0.0e+00  }
0xbe: {  	v8 =	vadd.s32 $0x4, v8;
	[tilespmem:v12+s13+$0x0] =	vst.idx.msk $0xffff, v11;
	v10 =	vmax.f32 v10, $0.0e+00  }
0xbf: {  	_ =	sdelay $0x3  }
0xc0: {  	v11 =	vand.u32 $0xFFFFFFF8, v8;
	[tilespmem:v9+s13+$0x0] =	vst.idx.msk $0xffff, v10  }
0xc1: {  	v8 =	vand.u32 $0x4, v8;
	v9 =	vld [tilespmem:s22+$0x7400];
	v10 =	vadd.s32 v2, v11  }
0xc2: {  	v12 =	vld [tilespmem:s22+$0x7410];
	v11 =	vadd.s32 v3, v11;
	v13 =	vor.u32 v8, v10  }
0xc3: {  	v14 =	vor.u32 v8, v11;
	_ =	sdelay $0x2  }
0xc4: {  	v9 =	vmax.f32 v9, $0.0e+00  }
0xc5: {  	[tilespmem:v13+s13+$0x0] =	vst.idx.msk $0xffff, v9;
	v9 =	vmax.f32 v12, $0.0e+00  }
0xc6: {  	[tilespmem:v14+s13+$0x0] =	vst.idx.msk $0xffff, v9  }
0xc7: {  	v12 =	vor.u32 $0x1, v8;
	v9 =	vld [tilespmem:s22+$0x7420]  }
0xc8: {  	v14 =	vor.u32 v12, v10;
	v13 =	vld [tilespmem:s22+$0x7430]  }
0xc9: {  	v12 =	vor.u32 v12, v11;
	_ =	sdelay $0x2  }
0xca: {  	v9 =	vmax.f32 v9, $0.0e+00  }
0xcb: {  	[tilespmem:v14+s13+$0x0] =	vst.idx.msk $0xffff, v9;
	v9 =	vmax.f32 v13, $0.0e+00  }
0xcc: {  	[tilespmem:v12+s13+$0x0] =	vst.idx.msk $0xffff, v9  }
0xcd: {  	v12 =	vor.u32 $0x2, v8;
	v9 =	vld [tilespmem:s22+$0x7440]  }
0xce: {  	v13 =	vld [tilespmem:s22+$0x7450];
	v14 =	vor.u32 v12, v10  }
0xcf: {  	v12 =	vor.u32 v12, v11;
	_ =	sdelay $0x2  }
0xd0: {  	v9 =	vmax.f32 v9, $0.0e+00  }
0xd1: {  	[tilespmem:v14+s13+$0x0] =	vst.idx.msk $0xffff, v9;
	v9 =	vmax.f32 v13, $0.0e+00  }
0xd2: {  	[tilespmem:v12+s13+$0x0] =	vst.idx.msk $0xffff, v9  }
0xd3: {  	v12 =	vld [tilespmem:s22+$0x7470]  }
0xd4: {  	v8 =	vor.u32 $0x3, v8;
	v9 =	vld [tilespmem:s22+$0x7460]  }
0xd5: {  	v13 =	vor.u32 v8, v10  }
0xd6: {  	p1 =	por $0x1, $0x1;
	v8 =	vor.u32 v8, v11  }
.Ltmp4:
0xd7: {  	_ = 	snop;
	(pc) =	sbr.rel @!p1 .LBB2_10-.Ltmp4, $4  }
0xd8: {  	v11 =	vmax.f32 v12, $0.0e+00  }
0xd9: {  	v10 =	vimm.s32 $0x0;
	v9 =	vmax.f32 v9, $0.0e+00  }
0xda: {  	p0 =	por $0x0, $0x0;
	[tilespmem:v13+s13+$0x0] =	vst.idx.msk $0xffff, v9;
	v9 =	vand.u32 $0x4, v10  }
0xdb: {  	s23 =	simm.s32 $0x0;
	p2 =	por $0x0, $0x0;
	s22 =	simm.s32 $0x0;
	v12 =	vimm.s32 $0x0;
	[tilespmem:v8+s13+$0x0] =	vst.idx.msk $0xffff, v11;
	v8 =	vadd.s32 $0x4, v10;
	v11 =	vmov v9  }
0xdc: {  	v11 =	vand.u32 $0xFFFFFFF8, v10  }
0xdd: {  	v12 =	vld [tilespmem:s22+$0x8400];
	v13 =	vadd.s32 v4, v11  }
0xde: {  	v14 =	vadd.s32 v5, v11;
	v11 =	vld [tilespmem:s22+$0x8410];
	v15 =	vor.u32 v9, v13  }
0xdf: {  	v16 =	vor.u32 v9, v14;
	_ =	sdelay $0x2  }
0xe0: {  	v12 =	vmax.f32 v12, $0.0e+00  }
0xe1: {  	v11 =	vmax.f32 v11, $0.0e+00;
	[tilespmem:v15+s13+$0x0] =	vst.idx.msk $0xffff, v12  }
0xe2: {  	[tilespmem:v16+s13+$0x0] =	vst.idx.msk $0xffff, v11  }
0xe3: {  	v11 =	vor.u32 $0x1, v9;
	v12 =	vld [tilespmem:s22+$0x8420]  }
0xe4: {  	v15 =	vor.u32 v11, v13;
	v16 =	vld [tilespmem:s22+$0x8430]  }
0xe5: {  	v11 =	vor.u32 v11, v14;
	_ =	sdelay $0x2  }
0xe6: {  	v12 =	vmax.f32 v12, $0.0e+00  }
0xe7: {  	[tilespmem:v15+s13+$0x0] =	vst.idx.msk $0xffff, v12;
	v12 =	vmax.f32 v16, $0.0e+00  }
0xe8: {  	[tilespmem:v11+s13+$0x0] =	vst.idx.msk $0xffff, v12  }
0xe9: {  	v12 =	vor.u32 $0x2, v9;
	v11 =	vld [tilespmem:s22+$0x8440]  }
0xea: {  	v15 =	vld [tilespmem:s22+$0x8450];
	v16 =	vor.u32 v12, v13  }
0xeb: {  	v12 =	vor.u32 v12, v14;
	_ =	sdelay $0x2  }
0xec: {  	v11 =	vmax.f32 v11, $0.0e+00  }
0xed: {  	[tilespmem:v16+s13+$0x0] =	vst.idx.msk $0xffff, v11;
	v11 =	vmax.f32 v15, $0.0e+00  }
0xee: {  	[tilespmem:v12+s13+$0x0] =	vst.idx.msk $0xffff, v11  }
0xef: {  	v12 =	vor.u32 $0x3, v9;
	v15 =	vld [tilespmem:s22+$0x8460]  }
0xf0: {  	p3 =	por $0x1, $0x1;
	v16 =	vor.u32 v12, v13;
	v17 =	vld [tilespmem:s22+$0x8470]  }
.Ltmp5:
0xf1: {  	v14 =	vor.u32 v12, v14;
	(pc) =	sbr.rel @!p3 .LBB2_8-.Ltmp5, $3  }
0xf2: {  	_ =	sdelay $0x1  }
0xf3: {  	v15 =	vmax.f32 v15, $0.0e+00  }
0xf4: {  	s23 =	simm.s32 $0x80;
	s24 =	simm.s32 $0x400;
	p2 =	por $0x1, $0x1;
	v11 =	vand.u32 $0x4, v8;
	v13 =	vadd.s32 $0x4, v8;
	v12 =	vmovc v8;
	[tilespmem:v16+s13+$0x0] =	vst.idx.msk $0xffff, v15;
	v15 =	vmax.f32 v17, $0.0e+00  }
.LBB2_9:
0xf5: {  	s25 =	sshra.s32 s24, $0x2;
	v16 =	vand.u32 $0x4, v13;
	p3 =	sne.s32 s24, $0x3E00;
	s24 =	sadd.s32 $0x200, s24;
	v17 =	vand.u32 $0xFFFFFFF8, v12;
	v18 =	vor.u32 $0x3, v11;
	[tilespmem:v14+s13+$0x0] =	vst.idx.msk $0xffff, v15;
	v12 =	vmovc v13  }
0xf6: {  	v19 =	vor.u32 $0x1, v11;
	v14 =	vld [tilespmem:s23+$0x8400];
	v15 =	vadd.s32 v4, v17;
	v17 =	vadd.s32 v5, v17  }
0xf7: {  	v20 =	vld [tilespmem:s23+$0x8410];
	v21 =	vor.u32 v11, v15;
	v22 =	vor.u32 v19, v15;
	v23 =	vor.u32 v18, v15  }
0xf8: {  	v24 =	vor.u32 v11, v17;
	v19 =	vor.u32 v19, v17;
	_ =	sdelay $0x2  }
0xf9: {  	v14 =	vmax.f32 v14, $0.0e+00  }
0xfa: {  	[tilespmem:v21+s13+$0x0] =	vst.idx.msk $0xffff, v14;
	v14 =	vmax.f32 v20, $0.0e+00  }
0xfb: {  	[tilespmem:v24+s13+$0x0] =	vst.idx.msk $0xffff, v14  }
0xfc: {  	v14 =	vld [tilespmem:s23+$0x8420]  }
0xfd: {  	v20 =	vld [tilespmem:s23+$0x8430];
	_ =	sdelay $0x3  }
0xfe: {  	v14 =	vmax.f32 v14, $0.0e+00  }
0xff: {  	[tilespmem:v22+s13+$0x0] =	vst.idx.msk $0xffff, v14;
	v14 =	vmax.f32 v20, $0.0e+00  }
0x100: {  	[tilespmem:v19+s13+$0x0] =	vst.idx.msk $0xffff, v14  }
0x101: {  	v19 =	vor.u32 $0x2, v11;
	v11 =	vmov v16;
	v14 =	vld [tilespmem:s23+$0x8440]  }
0x102: {  	v15 =	vor.u32 v19, v15;
	v16 =	vld [tilespmem:s23+$0x8450]  }
0x103: {  	v19 =	vor.u32 v19, v17;
	_ =	sdelay $0x2  }
0x104: {  	v14 =	vmax.f32 v14, $0.0e+00  }
0x105: {  	[tilespmem:v15+s13+$0x0] =	vst.idx.msk $0xffff, v14;
	v14 =	vmax.f32 v16, $0.0e+00  }
0x106: {  	[tilespmem:v19+s13+$0x0] =	vst.idx.msk $0xffff, v14  }
0x107: {  	v15 =	vld [tilespmem:s23+$0x8460]  }
0x108: {  	v16 =	vld [tilespmem:s23+$0x8470];
	s23 =	smov.u32 s25  }
.Ltmp6:
0x109: {  	v14 =	vor.u32 v18, v17;
	(pc) =	sbr.rel @p3 .LBB2_9-.Ltmp6, $3  }
0x10a: {  	_ =	sdelay $0x1  }
0x10b: {  	v15 =	vmax.f32 v15, $0.0e+00  }
0x10c: {  	v13 =	vadd.s32 $0x4, v13;
	[tilespmem:v23+s13+$0x0] =	vst.idx.msk $0xffff, v15;
	v15 =	vmax.f32 v16, $0.0e+00  }
.LBB2_10:
0x10d: {  	_ =	sdelay $0x3  }
0x10e: {  	v12 =	vand.u32 $0xFFFFFFF8, v12;
	[tilespmem:v14+s13+$0x0] =	vst.idx.msk @p2 $0xffff, v15  }
0x10f: {  	v13 =	vld [tilespmem:s23+$0x8400];
	v53 =	vadd.s32 v4, v12  }
0x110: {  	v12 =	vadd.s32 v5, v12;
	v15 =	vld [tilespmem:s23+$0x8410];
	v16 =	vor.u32 v11, v53  }
0x111: {  	v17 =	vor.u32 v11, v12;
	_ =	sdelay $0x2  }
0x112: {  	v13 =	vmax.f32 v13, $0.0e+00  }
0x113: {  	v54 =	vmax.f32 v15, $0.0e+00;
	[tilespmem:v16+s13+$0x0] =	vst.idx.msk $0xffff, v13  }
0x114: {  	[tilespmem:v17+s13+$0x0] =	vst.idx.msk $0xffff, v54  }
0x115: {  	v55 =	vor.u32 $0x1, v11;
	v56 =	vld [tilespmem:s23+$0x8420]  }
0x116: {  	v57 =	vor.u32 v55, v53;
	v17 =	vld [tilespmem:s23+$0x8430]  }
0x117: {  	v13 =	vor.u32 v55, v12;
	_ =	sdelay $0x2  }
0x118: {  	v15 =	vmax.f32 v56, $0.0e+00  }
0x119: {  	v58 =	vmax.f32 v17, $0.0e+00;
	[tilespmem:v57+s13+$0x0] =	vst.idx.msk $0xffff, v15  }
0x11a: {  	[tilespmem:v13+s13+$0x0] =	vst.idx.msk $0xffff, v58  }
0x11b: {  	v59 =	vor.u32 $0x2, v11;
	v13 =	vld [tilespmem:s23+$0x8440]  }
0x11c: {  	v60 =	vor.u32 v59, v53;
	v16 =	vld [tilespmem:s23+$0x8450]  }
0x11d: {  	v15 =	vor.u32 v59, v12;
	_ =	sdelay $0x2  }
0x11e: {  	v13 =	vmax.f32 v13, $0.0e+00  }
0x11f: {  	v61 =	vmax.f32 v16, $0.0e+00;
	[tilespmem:v60+s13+$0x0] =	vst.idx.msk $0xffff, v13  }
0x120: {  	[tilespmem:v15+s13+$0x0] =	vst.idx.msk $0xffff, v61  }
0x121: {  	v11 =	vor.u32 $0x3, v11;
	v13 =	vld [tilespmem:s23+$0x8460]  }
0x122: {  	v14 =	vor.u32 v11, v53;
	v15 =	vld [tilespmem:s23+$0x8470]  }
0x123: {  	v11 =	vor.u32 v11, v12  }
.Ltmp7:
0x124: {  	_ = 	snop;
	(pc) =	sbr.rel @!p1 .LBB2_11-.Ltmp7, $4  }
0x125: {  	_ = 	snop  }
0x126: {  	v62 =	vmax.f32 v13, $0.0e+00  }
0x127: {  	v63 =	vmax.f32 v15, $0.0e+00;
	[tilespmem:v14+s13+$0x0] =	vst.idx.msk $0xffff, v62  }
0x128: {  	[tilespmem:v11+s13+$0x0] =	vst.idx.msk $0xffff, v63  }
0x129: {  	v10 =	vand.u32 $0xFFFFFFF8, v10  }
0x12a: {  	v11 =	vld [tilespmem:s22+$0x9400];
	v12 =	vadd.s32 v6, v10  }
0x12b: {  	v13 =	vld [tilespmem:s22+$0x9410];
	v10 =	vadd.s32 v7, v10;
	v14 =	vor.u32 v9, v12  }
0x12c: {  	v15 =	vor.u32 v9, v10;
	_ =	sdelay $0x2  }
0x12d: {  	v11 =	vmax.f32 v11, $0.0e+00  }
0x12e: {  	[tilespmem:v14+s13+$0x0] =	vst.idx.msk $0xffff, v11;
	v11 =	vmax.f32 v13, $0.0e+00  }
0x12f: {  	[tilespmem:v15+s13+$0x0] =	vst.idx.msk $0xffff, v11  }
0x130: {  	v11 =	vor.u32 $0x1, v9;
	v13 =	vld [tilespmem:s22+$0x9420]  }
0x131: {  	v14 =	vor.u32 v11, v12;
	v15 =	vld [tilespmem:s22+$0x9430]  }
0x132: {  	v11 =	vor.u32 v11, v10;
	_ =	sdelay $0x2  }
0x133: {  	v13 =	vmax.f32 v13, $0.0e+00  }
0x134: {  	[tilespmem:v14+s13+$0x0] =	vst.idx.msk $0xffff, v13;
	v13 =	vmax.f32 v15, $0.0e+00  }
0x135: {  	[tilespmem:v11+s13+$0x0] =	vst.idx.msk $0xffff, v13  }
0x136: {  	v13 =	vor.u32 $0x2, v9;
	v11 =	vld [tilespmem:s22+$0x9440]  }
0x137: {  	v14 =	vld [tilespmem:s22+$0x9450];
	v15 =	vor.u32 v13, v12  }
0x138: {  	v13 =	vor.u32 v13, v10;
	_ =	sdelay $0x2  }
0x139: {  	v11 =	vmax.f32 v11, $0.0e+00  }
0x13a: {  	[tilespmem:v15+s13+$0x0] =	vst.idx.msk $0xffff, v11;
	v11 =	vmax.f32 v14, $0.0e+00  }
0x13b: {  	[tilespmem:v13+s13+$0x0] =	vst.idx.msk $0xffff, v11  }
0x13c: {  	v11 =	vor.u32 $0x3, v9;
	v13 =	vld [tilespmem:s22+$0x9460]  }
0x13d: {  	p1 =	por $0x1, $0x1;
	v12 =	vor.u32 v11, v12;
	v14 =	vld [tilespmem:s22+$0x9470]  }
.Ltmp8:
0x13e: {  	v11 =	vor.u32 v11, v10;
	(pc) =	sbr.rel @!p1 .LBB2_13-.Ltmp8, $3  }
0x13f: {  	_ =	sdelay $0x1  }
0x140: {  	v13 =	vmax.f32 v13, $0.0e+00  }
0x141: {  	s23 =	simm.s32 $0x400;
	p0 =	por $0x1, $0x1;
	v9 =	vand.u32 $0x4, v8;
	s22 =	simm.s32 $0x80;
	v10 =	vadd.s32 $0x4, v8;
	[tilespmem:v12+s13+$0x0] =	vst.idx.msk $0xffff, v13;
	v12 =	vmax.f32 v14, $0.0e+00  }
.LBB2_14:
0x142: {  	s24 =	sshra.s32 s23, $0x2;
	v13 =	vand.u32 $0x4, v10;
	p1 =	sne.s32 s23, $0x3E00;
	s23 =	sadd.s32 $0x200, s23;
	v14 =	vand.u32 $0xFFFFFFF8, v8;
	v15 =	vor.u32 $0x3, v9;
	[tilespmem:v11+s13+$0x0] =	vst.idx.msk $0xffff, v12;
	v8 =	vmovc v10  }
0x143: {  	v16 =	vor.u32 $0x1, v9;
	v11 =	vld [tilespmem:s22+$0x9400];
	v12 =	vadd.s32 v6, v14;
	v14 =	vadd.s32 v7, v14  }
0x144: {  	v17 =	vld [tilespmem:s22+$0x9410];
	v18 =	vor.u32 v9, v12;
	v19 =	vor.u32 v16, v12;
	v20 =	vor.u32 v15, v12  }
0x145: {  	v21 =	vor.u32 v9, v14;
	v16 =	vor.u32 v16, v14;
	_ =	sdelay $0x2  }
0x146: {  	v11 =	vmax.f32 v11, $0.0e+00  }
0x147: {  	[tilespmem:v18+s13+$0x0] =	vst.idx.msk $0xffff, v11;
	v11 =	vmax.f32 v17, $0.0e+00  }
0x148: {  	[tilespmem:v21+s13+$0x0] =	vst.idx.msk $0xffff, v11  }
0x149: {  	v11 =	vld [tilespmem:s22+$0x9420]  }
0x14a: {  	v17 =	vld [tilespmem:s22+$0x9430];
	_ =	sdelay $0x3  }
0x14b: {  	v11 =	vmax.f32 v11, $0.0e+00  }
0x14c: {  	[tilespmem:v19+s13+$0x0] =	vst.idx.msk $0xffff, v11;
	v11 =	vmax.f32 v17, $0.0e+00  }
0x14d: {  	[tilespmem:v16+s13+$0x0] =	vst.idx.msk $0xffff, v11  }
0x14e: {  	v16 =	vor.u32 $0x2, v9;
	v9 =	vmov v13;
	v11 =	vld [tilespmem:s22+$0x9440]  }
0x14f: {  	v12 =	vor.u32 v16, v12;
	v13 =	vld [tilespmem:s22+$0x9450]  }
0x150: {  	v16 =	vor.u32 v16, v14;
	_ =	sdelay $0x2  }
0x151: {  	v11 =	vmax.f32 v11, $0.0e+00  }
0x152: {  	[tilespmem:v12+s13+$0x0] =	vst.idx.msk $0xffff, v11;
	v11 =	vmax.f32 v13, $0.0e+00  }
0x153: {  	[tilespmem:v16+s13+$0x0] =	vst.idx.msk $0xffff, v11  }
0x154: {  	v12 =	vld [tilespmem:s22+$0x9460]  }
0x155: {  	v13 =	vld [tilespmem:s22+$0x9470];
	s22 =	smov.u32 s24  }
.Ltmp9:
0x156: {  	v11 =	vor.u32 v15, v14;
	(pc) =	sbr.rel @p1 .LBB2_14-.Ltmp9, $3  }
0x157: {  	_ =	sdelay $0x1  }
0x158: {  	v12 =	vmax.f32 v12, $0.0e+00  }
0x159: {  	v10 =	vadd.s32 $0x4, v10;
	[tilespmem:v20+s13+$0x0] =	vst.idx.msk $0xffff, v12;
	v12 =	vmax.f32 v13, $0.0e+00  }
0x15a: {  	v10 =	vmov v8  }
.LBB2_16:
0x15b: {  	_ =	sdelay $0x3  }
0x15c: {  	v8 =	vand.u32 $0xFFFFFFF8, v10;
	[tilespmem:v11+s13+$0x0] =	vst.idx.msk @p0 $0xffff, v12  }
0x15d: {  	v51 =	vld [tilespmem:s22+$0x9400];
	v52 =	vadd.s32 v6, v8  }
0x15e: {  	v8 =	vadd.s32 v7, v8;
	v12 =	vld [tilespmem:s22+$0x9410];
	v13 =	vor.u32 v9, v52  }
0x15f: {  	v14 =	vor.u32 v9, v8;
	_ =	sdelay $0x2  }
0x160: {  	v10 =	vmax.f32 v51, $0.0e+00  }
0x161: {  	v53 =	vmax.f32 v12, $0.0e+00;
	[tilespmem:v13+s13+$0x0] =	vst.idx.msk $0xffff, v10  }
0x162: {  	[tilespmem:v14+s13+$0x0] =	vst.idx.msk $0xffff, v53  }
0x163: {  	v54 =	vor.u32 $0x1, v9;
	v55 =	vld [tilespmem:s22+$0x9420]  }
0x164: {  	v56 =	vor.u32 v54, v52;
	v14 =	vld [tilespmem:s22+$0x9430]  }
0x165: {  	v10 =	vor.u32 v54, v8;
	_ =	sdelay $0x2  }
0x166: {  	v12 =	vmax.f32 v55, $0.0e+00  }
0x167: {  	v57 =	vmax.f32 v14, $0.0e+00;
	[tilespmem:v56+s13+$0x0] =	vst.idx.msk $0xffff, v12  }
0x168: {  	[tilespmem:v10+s13+$0x0] =	vst.idx.msk $0xffff, v57  }
0x169: {  	v58 =	vor.u32 $0x2, v9;
	v10 =	vld [tilespmem:s22+$0x9440]  }
0x16a: {  	v59 =	vor.u32 v58, v52;
	v13 =	vld [tilespmem:s22+$0x9450]  }
0x16b: {  	v12 =	vor.u32 v58, v8;
	_ =	sdelay $0x2  }
0x16c: {  	v10 =	vmax.f32 v10, $0.0e+00  }
0x16d: {  	v60 =	vmax.f32 v13, $0.0e+00;
	[tilespmem:v59+s13+$0x0] =	vst.idx.msk $0xffff, v10  }
0x16e: {  	[tilespmem:v12+s13+$0x0] =	vst.idx.msk $0xffff, v60  }
0x16f: {  	v61 =	vor.u32 $0x3, v9;
	v10 =	vld [tilespmem:s22+$0x9460]  }
0x170: {  	v11 =	vor.u32 v61, v52;
	v12 =	vld [tilespmem:s22+$0x9470]  }
0x171: {  	s21 =	sadd.s32 s6, s21;
	v8 =	vor.u32 v61, v8  }
0x172: {  	s31 =	sshll.u32 s21, $0x9  }
0x173: {  	s21 =	sshll.u32 s21, $0xB;
	s22 =	sand.u32 $0x3C00, s31  }
0x174: {  	s21 =	sand.u32 $0xFFF0000, s21;
	s22 =	sadd.s32 s2, s22;
	v62 =	vmax.f32 v10, $0.0e+00  }
0x175: {  	s23 =	simm.s32 $0x10;
	s21 =	sadd.s32 s21, s22;
	v63 =	vmax.f32 v12, $0.0e+00;
	[tilespmem:v11+s13+$0x0] =	vst.idx.msk $0xffff, v62  }
0x176: {  	s24 =	simm.s32 $0xE488;
	s22 =	simm.s32 $0xE400;
	s25 =	sadd.s32 $0x0, s21;
	[tilespmem:v8+s13+$0x0] =	vst.idx.msk $0xffff, v63  }
.LBB2_17:
0x177: {  	[hbm4b:s25+s3] =	stream.linear.scatter [tilespmem:s22], [sflag:$0x3], $0x80, $0x38;
	[tilespmem:$0x16C00] =	vst v63  }
0x178: {  	s25 =	smov.u32 s23;
	s22 =	smov.u32 s24;
	p0 =	sne.s32 s23, $0x1F0  }
.Ltmp10:
0x179: {  	s23 =	sadd.s32 $0x10, s23;
	(pc) =	sbr.rel @p0 .LBB2_17-.Ltmp10, $2  }
0x17a: {  	_ =	sdelay $0x2  }
0x17b: {  	s24 =	sadd.s32 $0x88, s24;
	s25 =	sadd.s32 s25, s21  }
0x17c: {  	[hbm4b:s25+s3] =	stream.linear.scatter [tilespmem:s22], [sflag:$0x3], $0x80, $0x38;
	[tilespmem:$0x16C00] =	vst v63  }
0x17d: {  	s22 =	sadd.s32 $0x4000, s21;
	s23 =	simm.s32 $0xF500  }
0x17e: {  	s24 =	simm.s32 $0x10;
	s25 =	simm.s32 $0xF588;
	s26 =	sadd.s32 $0x0, s22  }
.LBB2_19:
0x17f: {  	[hbm4b:s26+s3] =	stream.linear.scatter [tilespmem:s23], [sflag:$0x3], $0x80, $0x38;
	[tilespmem:$0x16C00] =	vst v63  }
0x180: {  	s26 =	smov.u32 s24;
	s23 =	smov.u32 s25;
	p0 =	sne.s32 s24, $0x1F0  }
.Ltmp11:
0x181: {  	s24 =	sadd.s32 $0x10, s24;
	(pc) =	sbr.rel @p0 .LBB2_19-.Ltmp11, $2  }
0x182: {  	_ =	sdelay $0x2  }
0x183: {  	s25 =	sadd.s32 $0x88, s25;
	s26 =	sadd.s32 s26, s22  }
0x184: {  	[hbm4b:s26+s3] =	stream.linear.scatter [tilespmem:s23], [sflag:$0x3], $0x80, $0x38;
	[tilespmem:$0x16C00] =	vst v63  }
0x185: {  	s22 =	sadd.s32 $0x8000, s21;
	s23 =	simm.s32 $0x10600  }
0x186: {  	s24 =	simm.s32 $0x10;
	s25 =	simm.s32 $0x10688;
	s26 =	sadd.s32 $0x0, s22  }
.LBB2_21:
0x187: {  	[hbm4b:s26+s3] =	stream.linear.scatter [tilespmem:s23], [sflag:$0x3], $0x80, $0x38;
	[tilespmem:$0x16C00] =	vst v63  }
0x188: {  	s26 =	smov.u32 s24;
	s23 =	smov.u32 s25;
	p0 =	sne.s32 s24, $0x1F0  }
.Ltmp12:
0x189: {  	s24 =	sadd.s32 $0x10, s24;
	(pc) =	sbr.rel @p0 .LBB2_21-.Ltmp12, $2  }
0x18a: {  	_ =	sdelay $0x2  }
0x18b: {  	s25 =	sadd.s32 $0x88, s25;
	s26 =	sadd.s32 s26, s22  }
0x18c: {  	[hbm4b:s26+s3] =	stream.linear.scatter [tilespmem:s23], [sflag:$0x3], $0x80, $0x38;
	[tilespmem:$0x16C00] =	vst v63  }
0x18d: {  	s21 =	sadd.s32 $0xC000, s21;
	s22 =	simm.s32 $0x11700  }
0x18e: {  	s23 =	simm.s32 $0x10;
	s24 =	simm.s32 $0x11788;
	s25 =	sadd.s32 $0x0, s21  }
.LBB2_23:
0x18f: {  	[hbm4b:s25+s3] =	stream.linear.scatter [tilespmem:s22], [sflag:$0x3], $0x80, $0x38;
	[tilespmem:$0x16C00] =	vst v63  }
0x190: {  	s25 =	smov.u32 s23;
	s22 =	smov.u32 s24;
	p0 =	sne.s32 s23, $0x1F0  }
.Ltmp13:
0x191: {  	s23 =	sadd.s32 $0x10, s23;
	(pc) =	sbr.rel @p0 .LBB2_23-.Ltmp13, $2  }
0x192: {  	_ =	sdelay $0x2  }
0x193: {  	s24 =	sadd.s32 $0x88, s24;
	s25 =	sadd.s32 s25, s21  }
0x194: {  	[hbm4b:s25+s3] =	stream.linear.scatter [tilespmem:s22], [sflag:$0x3], $0x80, $0x38;
	[tilespmem:$0x16C00] =	vst v63  }
0x195: {  	p0 =	seq.s32 s19, $0x18  }
0x196: {  	s21 =	simm.s32 @!p0 $0x3  }
0x197: {  	_ =	swait.ge @!p0 [sflag:s21], $0x4000  }
0x198: {  	s22 =	sshll.u32 @!p0 s19, $0xA;
	[sflag:s21] =	ssyncset.done @!p0 $0x0  }
0x199: {  	[sflag:s21] =	ssyncadd.s32 @!p0 $0xFFFFC000;
	s21 =	sand.u32 @!p0 $0x3FFFFC00, s22  }
0x19a: {  	s23 =	simm.s32 @!p0 $0x6400;
	s22 =	simm.s32 @!p0 $0x200;
	s21 =	sadd.s32 @!p0 $0x400, s21  }
0x19b: {  	[tilespmem:s23], [sflag:$0x1] =	stream.indirect.gather @!p0 [hbm4b:s4+s22], $0x20, s21, s22, $0xb8;
	[tilespmem:$0x16C00] =	vst v63  }
0x19c: {  	_ =	swait.ge [sflag:s14], $0x4000  }
0x19d: {  	v10 =	vimm.s32 $0x0;
	[sflag:s14] =	ssyncset.done $0x0  }
0x19e: {  	v8 =	vand.u32 $0xFFFFFFF8, v10;
	s22 =	simm.s32 $0x0;
	[sflag:s14] =	ssyncadd.s32 $0xFFFFC000  }
0x19f: {  	v9 =	vand.u32 $0x4, v10;
	v12 =	vadd.s32 v0, v8;
	v11 =	vld [tilespmem:s22+$0xA400]  }
0x1a0: {  	v13 =	vadd.s32 v1, v8;
	v14 =	vor.u32 v9, v12;
	v8 =	vld [tilespmem:s22+$0xA410]  }
0x1a1: {  	v15 =	vor.u32 v9, v13;
	_ =	sdelay $0x2  }
0x1a2: {  	v11 =	vmax.f32 v11, $0.0e+00  }
0x1a3: {  	v8 =	vmax.f32 v8, $0.0e+00;
	[tilespmem:v14+s15+$0x0] =	vst.idx.msk $0xffff, v11  }
0x1a4: {  	[tilespmem:v15+s15+$0x0] =	vst.idx.msk $0xffff, v8  }
0x1a5: {  	v8 =	vor.u32 $0x1, v9;
	v11 =	vld [tilespmem:s22+$0xA420]  }
0x1a6: {  	v14 =	vor.u32 v8, v12;
	v15 =	vld [tilespmem:s22+$0xA430]  }
0x1a7: {  	v8 =	vor.u32 v8, v13;
	_ =	sdelay $0x2  }
0x1a8: {  	v11 =	vmax.f32 v11, $0.0e+00  }
0x1a9: {  	[tilespmem:v14+s15+$0x0] =	vst.idx.msk $0xffff, v11;
	v11 =	vmax.f32 v15, $0.0e+00  }
0x1aa: {  	[tilespmem:v8+s15+$0x0] =	vst.idx.msk $0xffff, v11  }
0x1ab: {  	v11 =	vor.u32 $0x2, v9;
	v8 =	vld [tilespmem:s22+$0xA440]  }
0x1ac: {  	v14 =	vld [tilespmem:s22+$0xA450];
	v15 =	vor.u32 v11, v12  }
0x1ad: {  	v11 =	vor.u32 v11, v13;
	_ =	sdelay $0x2  }
0x1ae: {  	v8 =	vmax.f32 v8, $0.0e+00  }
0x1af: {  	[tilespmem:v15+s15+$0x0] =	vst.idx.msk $0xffff, v8;
	v8 =	vmax.f32 v14, $0.0e+00  }
0x1b0: {  	[tilespmem:v11+s15+$0x0] =	vst.idx.msk $0xffff, v8  }
0x1b1: {  	v14 =	vor.u32 $0x3, v9;
	v15 =	vld [tilespmem:s22+$0xA460]  }
0x1b2: {  	v16 =	vor.u32 v14, v12;
	v17 =	vld [tilespmem:s22+$0xA470]  }
0x1b3: {  	v14 =	vor.u32 v14, v13;
	_ =	sdelay $0x2  }
0x1b4: {  	v8 =	vadd.s32 $0x4, v10;
	v15 =	vmax.f32 v15, $0.0e+00  }
0x1b5: {  	s24 =	simm.s32 $0x400;
	s21 =	simm.s32 $0x80;
	s23 =	simm.s32 $0x80;
	v11 =	vand.u32 $0x4, v8;
	v12 =	vadd.s32 $0x4, v8;
	v13 =	vmovc v8;
	[tilespmem:v16+s15+$0x0] =	vst.idx.msk $0xffff, v15;
	v15 =	vmax.f32 v17, $0.0e+00  }
.LBB2_25:
0x1b6: {  	s25 =	sshra.s32 s24, $0x2;
	v16 =	vand.u32 $0x4, v12;
	p0 =	sne.s32 s24, $0x3E00;
	s24 =	sadd.s32 $0x200, s24;
	v17 =	vand.u32 $0xFFFFFFF8, v13;
	v18 =	vor.u32 $0x3, v11;
	[tilespmem:v14+s15+$0x0] =	vst.idx.msk $0xffff, v15;
	v13 =	vmovc v12  }
0x1b7: {  	v19 =	vor.u32 $0x1, v11;
	v14 =	vld [tilespmem:s23+$0xA400];
	v15 =	vadd.s32 v0, v17;
	v17 =	vadd.s32 v1, v17  }
0x1b8: {  	v20 =	vld [tilespmem:s23+$0xA410];
	v21 =	vor.u32 v11, v15;
	v22 =	vor.u32 v19, v15;
	v23 =	vor.u32 v18, v15  }
0x1b9: {  	v24 =	vor.u32 v11, v17;
	v19 =	vor.u32 v19, v17;
	_ =	sdelay $0x2  }
0x1ba: {  	v14 =	vmax.f32 v14, $0.0e+00  }
0x1bb: {  	[tilespmem:v21+s15+$0x0] =	vst.idx.msk $0xffff, v14;
	v14 =	vmax.f32 v20, $0.0e+00  }
0x1bc: {  	[tilespmem:v24+s15+$0x0] =	vst.idx.msk $0xffff, v14  }
0x1bd: {  	v14 =	vld [tilespmem:s23+$0xA420]  }
0x1be: {  	v20 =	vld [tilespmem:s23+$0xA430];
	_ =	sdelay $0x3  }
0x1bf: {  	v14 =	vmax.f32 v14, $0.0e+00  }
0x1c0: {  	[tilespmem:v22+s15+$0x0] =	vst.idx.msk $0xffff, v14;
	v14 =	vmax.f32 v20, $0.0e+00  }
0x1c1: {  	[tilespmem:v19+s15+$0x0] =	vst.idx.msk $0xffff, v14  }
0x1c2: {  	v19 =	vor.u32 $0x2, v11;
	v11 =	vmov v16;
	v14 =	vld [tilespmem:s23+$0xA440]  }
0x1c3: {  	v15 =	vor.u32 v19, v15;
	v16 =	vld [tilespmem:s23+$0xA450]  }
0x1c4: {  	v19 =	vor.u32 v19, v17;
	_ =	sdelay $0x2  }
0x1c5: {  	v14 =	vmax.f32 v14, $0.0e+00  }
0x1c6: {  	[tilespmem:v15+s15+$0x0] =	vst.idx.msk $0xffff, v14;
	v14 =	vmax.f32 v16, $0.0e+00  }
0x1c7: {  	[tilespmem:v19+s15+$0x0] =	vst.idx.msk $0xffff, v14  }
0x1c8: {  	v15 =	vld [tilespmem:s23+$0xA460]  }
0x1c9: {  	v16 =	vld [tilespmem:s23+$0xA470];
	s23 =	smov.u32 s25  }
.Ltmp14:
0x1ca: {  	v14 =	vor.u32 v18, v17;
	(pc) =	sbr.rel @p0 .LBB2_25-.Ltmp14, $3  }
0x1cb: {  	_ =	sdelay $0x1  }
0x1cc: {  	v15 =	vmax.f32 v15, $0.0e+00  }
0x1cd: {  	v12 =	vadd.s32 $0x4, v12;
	[tilespmem:v23+s15+$0x0] =	vst.idx.msk $0xffff, v15;
	v15 =	vmax.f32 v16, $0.0e+00  }
0x1ce: {  	_ =	sdelay $0x3  }
0x1cf: {  	v12 =	vand.u32 $0xFFFFFFF8, v13;
	[tilespmem:v14+s15+$0x0] =	vst.idx.msk $0xffff, v15  }
0x1d0: {  	v43 =	vld [tilespmem:s23+$0xA400];
	v44 =	vadd.s32 v0, v12  }
0x1d1: {  	v12 =	vadd.s32 v1, v12;
	v15 =	vld [tilespmem:s23+$0xA410];
	v16 =	vor.u32 v11, v44  }
0x1d2: {  	v17 =	vor.u32 v11, v12;
	_ =	sdelay $0x2  }
0x1d3: {  	v13 =	vmax.f32 v43, $0.0e+00  }
0x1d4: {  	v45 =	vmax.f32 v15, $0.0e+00;
	[tilespmem:v16+s15+$0x0] =	vst.idx.msk $0xffff, v13  }
0x1d5: {  	[tilespmem:v17+s15+$0x0] =	vst.idx.msk $0xffff, v45  }
0x1d6: {  	v46 =	vor.u32 $0x1, v11;
	v47 =	vld [tilespmem:s23+$0xA420]  }
0x1d7: {  	v48 =	vor.u32 v46, v44;
	v17 =	vld [tilespmem:s23+$0xA430]  }
0x1d8: {  	v13 =	vor.u32 v46, v12;
	_ =	sdelay $0x2  }
0x1d9: {  	v15 =	vmax.f32 v47, $0.0e+00  }
0x1da: {  	v49 =	vmax.f32 v17, $0.0e+00;
	[tilespmem:v48+s15+$0x0] =	vst.idx.msk $0xffff, v15  }
0x1db: {  	[tilespmem:v13+s15+$0x0] =	vst.idx.msk $0xffff, v49  }
0x1dc: {  	v50 =	vor.u32 $0x2, v11;
	v13 =	vld [tilespmem:s23+$0xA440]  }
0x1dd: {  	v51 =	vor.u32 v50, v44;
	v16 =	vld [tilespmem:s23+$0xA450]  }
0x1de: {  	v15 =	vor.u32 v50, v12;
	_ =	sdelay $0x2  }
0x1df: {  	v13 =	vmax.f32 v13, $0.0e+00  }
0x1e0: {  	v52 =	vmax.f32 v16, $0.0e+00;
	[tilespmem:v51+s15+$0x0] =	vst.idx.msk $0xffff, v13  }
0x1e1: {  	[tilespmem:v15+s15+$0x0] =	vst.idx.msk $0xffff, v52  }
0x1e2: {  	v11 =	vor.u32 $0x3, v11;
	v13 =	vld [tilespmem:s23+$0xA460]  }
0x1e3: {  	v14 =	vor.u32 v11, v44;
	v15 =	vld [tilespmem:s23+$0xA470]  }
0x1e4: {  	v11 =	vor.u32 v11, v12;
	_ =	sdelay $0x2  }
0x1e5: {  	v53 =	vmax.f32 v13, $0.0e+00  }
0x1e6: {  	v54 =	vmax.f32 v15, $0.0e+00;
	[tilespmem:v14+s15+$0x0] =	vst.idx.msk $0xffff, v53  }
0x1e7: {  	v10 =	vand.u32 $0xFFFFFFF8, v10;
	[tilespmem:v11+s15+$0x0] =	vst.idx.msk $0xffff, v54  }
0x1e8: {  	v55 =	vadd.s32 v2, v10;
	v11 =	vld [tilespmem:s22+$0xB400]  }
0x1e9: {  	v10 =	vadd.s32 v3, v10;
	v57 =	vor.u32 v9, v55;
	v56 =	vld [tilespmem:s22+$0xB410]  }
0x1ea: {  	v58 =	vor.u32 v9, v10;
	_ =	sdelay $0x2  }
0x1eb: {  	v11 =	vmax.f32 v11, $0.0e+00  }
0x1ec: {  	[tilespmem:v57+s15+$0x0] =	vst.idx.msk $0xffff, v11;
	v11 =	vmax.f32 v56, $0.0e+00  }
0x1ed: {  	[tilespmem:v58+s15+$0x0] =	vst.idx.msk $0xffff, v11  }
0x1ee: {  	v59 =	vor.u32 $0x1, v9;
	v11 =	vld [tilespmem:s22+$0xB420]  }
0x1ef: {  	v60 =	vor.u32 v59, v55;
	v14 =	vld [tilespmem:s22+$0xB430]  }
0x1f0: {  	v13 =	vor.u32 v59, v10;
	_ =	sdelay $0x2  }
0x1f1: {  	v11 =	vmax.f32 v11, $0.0e+00  }
0x1f2: {  	[tilespmem:v60+s15+$0x0] =	vst.idx.msk $0xffff, v11;
	v11 =	vmax.f32 v14, $0.0e+00  }
0x1f3: {  	[tilespmem:v13+s15+$0x0] =	vst.idx.msk $0xffff, v11  }
0x1f4: {  	v61 =	vor.u32 $0x2, v9;
	v11 =	vld [tilespmem:s22+$0xB440]  }
0x1f5: {  	v63 =	vor.u32 v61, v55;
	v62 =	vld [tilespmem:s22+$0xB450]  }
0x1f6: {  	v13 =	vor.u32 v61, v10;
	_ =	sdelay $0x2  }
0x1f7: {  	v11 =	vmax.f32 v11, $0.0e+00  }
0x1f8: {  	[tilespmem:v63+s15+$0x0] =	vst.idx.msk $0xffff, v11;
	v11 =	vmax.f32 v62, $0.0e+00  }
0x1f9: {  	[tilespmem:v13+s15+$0x0] =	vst.idx.msk $0xffff, v11  }
0x1fa: {  	v9 =	vor.u32 $0x3, v9;
	v11 =	vld [tilespmem:s22+$0xB460]  }
0x1fb: {  	v12 =	vor.u32 v9, v55;
	v13 =	vld [tilespmem:s22+$0xB470]  }
0x1fc: {  	v9 =	vor.u32 v9, v10;
	_ =	sdelay $0x2  }
0x1fd: {  	v11 =	vmax.f32 v11, $0.0e+00  }
0x1fe: {  	s22 =	simm.s32 $0x400;
	v10 =	vmax.f32 v13, $0.0e+00;
	[tilespmem:v12+s15+$0x0] =	vst.idx.msk $0xffff, v11  }
.LBB2_27:
0x1ff: {  	s23 =	sshra.s32 s22, $0x2;
	p0 =	sne.s32 s22, $0x3E00;
	s22 =	sadd.s32 $0x200, s22;
	v11 =	vand.u32 $0xFFFFFFF8, v8;
	[tilespmem:v9+s15+$0x0] =	vst.idx.msk $0xffff, v10  }
0x200: {  	v10 =	vand.u32 $0x4, v8;
	v9 =	vld [tilespmem:s21+$0xB400];
	v12 =	vadd.s32 v2, v11  }
0x201: {  	v11 =	vadd.s32 v3, v11;
	v13 =	vld [tilespmem:s21+$0xB410];
	v14 =	vor.u32 v10, v12  }
0x202: {  	v15 =	vor.u32 v10, v11;
	_ =	sdelay $0x2  }
0x203: {  	v9 =	vmax.f32 v9, $0.0e+00  }
0x204: {  	[tilespmem:v14+s15+$0x0] =	vst.idx.msk $0xffff, v9;
	v9 =	vmax.f32 v13, $0.0e+00  }
0x205: {  	[tilespmem:v15+s15+$0x0] =	vst.idx.msk $0xffff, v9  }
0x206: {  	v13 =	vor.u32 $0x1, v10;
	v9 =	vld [tilespmem:s21+$0xB420]  }
0x207: {  	v15 =	vor.u32 v13, v12;
	v14 =	vld [tilespmem:s21+$0xB430]  }
0x208: {  	v13 =	vor.u32 v13, v11;
	_ =	sdelay $0x2  }
0x209: {  	v9 =	vmax.f32 v9, $0.0e+00  }
0x20a: {  	[tilespmem:v15+s15+$0x0] =	vst.idx.msk $0xffff, v9;
	v9 =	vmax.f32 v14, $0.0e+00  }
0x20b: {  	[tilespmem:v13+s15+$0x0] =	vst.idx.msk $0xffff, v9  }
0x20c: {  	v13 =	vor.u32 $0x2, v10;
	v9 =	vld [tilespmem:s21+$0xB440]  }
0x20d: {  	v15 =	vor.u32 v13, v12;
	v14 =	vld [tilespmem:s21+$0xB450]  }
0x20e: {  	v13 =	vor.u32 v13, v11;
	_ =	sdelay $0x2  }
0x20f: {  	v9 =	vmax.f32 v9, $0.0e+00  }
0x210: {  	[tilespmem:v15+s15+$0x0] =	vst.idx.msk $0xffff, v9;
	v9 =	vmax.f32 v14, $0.0e+00  }
0x211: {  	[tilespmem:v13+s15+$0x0] =	vst.idx.msk $0xffff, v9  }
0x212: {  	v9 =	vor.u32 $0x3, v10;
	v13 =	vld [tilespmem:s21+$0xB460]  }
0x213: {  	v12 =	vor.u32 v9, v12;
	v10 =	vld [tilespmem:s21+$0xB470];
	s21 =	smov.u32 s23  }
.Ltmp15:
0x214: {  	v9 =	vor.u32 v9, v11;
	(pc) =	sbr.rel @p0 .LBB2_27-.Ltmp15, $3  }
0x215: {  	_ =	sdelay $0x1  }
0x216: {  	v11 =	vmax.f32 v13, $0.0e+00  }
0x217: {  	v8 =	vadd.s32 $0x4, v8;
	[tilespmem:v12+s15+$0x0] =	vst.idx.msk $0xffff, v11;
	v10 =	vmax.f32 v10, $0.0e+00  }
0x218: {  	_ =	sdelay $0x3  }
0x219: {  	v11 =	vand.u32 $0xFFFFFFF8, v8;
	[tilespmem:v9+s15+$0x0] =	vst.idx.msk $0xffff, v10  }
0x21a: {  	v8 =	vand.u32 $0x4, v8;
	v9 =	vld [tilespmem:s21+$0xB400];
	v10 =	vadd.s32 v2, v11  }
0x21b: {  	v12 =	vld [tilespmem:s21+$0xB410];
	v11 =	vadd.s32 v3, v11;
	v13 =	vor.u32 v8, v10  }
0x21c: {  	v14 =	vor.u32 v8, v11;
	_ =	sdelay $0x2  }
0x21d: {  	v9 =	vmax.f32 v9, $0.0e+00  }
0x21e: {  	[tilespmem:v13+s15+$0x0] =	vst.idx.msk $0xffff, v9;
	v9 =	vmax.f32 v12, $0.0e+00  }
0x21f: {  	[tilespmem:v14+s15+$0x0] =	vst.idx.msk $0xffff, v9  }
0x220: {  	v12 =	vor.u32 $0x1, v8;
	v9 =	vld [tilespmem:s21+$0xB420]  }
0x221: {  	v14 =	vor.u32 v12, v10;
	v13 =	vld [tilespmem:s21+$0xB430]  }
0x222: {  	v12 =	vor.u32 v12, v11;
	_ =	sdelay $0x2  }
0x223: {  	v9 =	vmax.f32 v9, $0.0e+00  }
0x224: {  	[tilespmem:v14+s15+$0x0] =	vst.idx.msk $0xffff, v9;
	v9 =	vmax.f32 v13, $0.0e+00  }
0x225: {  	[tilespmem:v12+s15+$0x0] =	vst.idx.msk $0xffff, v9  }
0x226: {  	v12 =	vor.u32 $0x2, v8;
	v9 =	vld [tilespmem:s21+$0xB440]  }
0x227: {  	v13 =	vld [tilespmem:s21+$0xB450];
	v14 =	vor.u32 v12, v10  }
0x228: {  	v12 =	vor.u32 v12, v11;
	_ =	sdelay $0x2  }
0x229: {  	v9 =	vmax.f32 v9, $0.0e+00  }
0x22a: {  	[tilespmem:v14+s15+$0x0] =	vst.idx.msk $0xffff, v9;
	v9 =	vmax.f32 v13, $0.0e+00  }
0x22b: {  	[tilespmem:v12+s15+$0x0] =	vst.idx.msk $0xffff, v9  }
0x22c: {  	v12 =	vld [tilespmem:s21+$0xB470]  }
0x22d: {  	v8 =	vor.u32 $0x3, v8;
	v9 =	vld [tilespmem:s21+$0xB460]  }
0x22e: {  	v13 =	vor.u32 v8, v10  }
0x22f: {  	p1 =	por $0x1, $0x1;
	v8 =	vor.u32 v8, v11  }
.Ltmp16:
0x230: {  	_ = 	snop;
	(pc) =	sbr.rel @!p1 .LBB2_32-.Ltmp16, $4  }
0x231: {  	v11 =	vmax.f32 v12, $0.0e+00  }
0x232: {  	v10 =	vimm.s32 $0x0;
	v9 =	vmax.f32 v9, $0.0e+00  }
0x233: {  	p0 =	por $0x0, $0x0;
	[tilespmem:v13+s15+$0x0] =	vst.idx.msk $0xffff, v9;
	v9 =	vand.u32 $0x4, v10  }
0x234: {  	s22 =	simm.s32 $0x0;
	p2 =	por $0x0, $0x0;
	s21 =	simm.s32 $0x0;
	v12 =	vimm.s32 $0x0;
	[tilespmem:v8+s15+$0x0] =	vst.idx.msk $0xffff, v11;
	v8 =	vadd.s32 $0x4, v10;
	v11 =	vmov v9  }
0x235: {  	v11 =	vand.u32 $0xFFFFFFF8, v10  }
0x236: {  	v12 =	vld [tilespmem:s21+$0xC400];
	v13 =	vadd.s32 v4, v11  }
0x237: {  	v14 =	vadd.s32 v5, v11;
	v11 =	vld [tilespmem:s21+$0xC410];
	v15 =	vor.u32 v9, v13  }
0x238: {  	v16 =	vor.u32 v9, v14;
	_ =	sdelay $0x2  }
0x239: {  	v12 =	vmax.f32 v12, $0.0e+00  }
0x23a: {  	v11 =	vmax.f32 v11, $0.0e+00;
	[tilespmem:v15+s15+$0x0] =	vst.idx.msk $0xffff, v12  }
0x23b: {  	[tilespmem:v16+s15+$0x0] =	vst.idx.msk $0xffff, v11  }
0x23c: {  	v11 =	vor.u32 $0x1, v9;
	v12 =	vld [tilespmem:s21+$0xC420]  }
0x23d: {  	v15 =	vor.u32 v11, v13;
	v16 =	vld [tilespmem:s21+$0xC430]  }
0x23e: {  	v11 =	vor.u32 v11, v14;
	_ =	sdelay $0x2  }
0x23f: {  	v12 =	vmax.f32 v12, $0.0e+00  }
0x240: {  	[tilespmem:v15+s15+$0x0] =	vst.idx.msk $0xffff, v12;
	v12 =	vmax.f32 v16, $0.0e+00  }
0x241: {  	[tilespmem:v11+s15+$0x0] =	vst.idx.msk $0xffff, v12  }
0x242: {  	v12 =	vor.u32 $0x2, v9;
	v11 =	vld [tilespmem:s21+$0xC440]  }
0x243: {  	v15 =	vld [tilespmem:s21+$0xC450];
	v16 =	vor.u32 v12, v13  }
0x244: {  	v12 =	vor.u32 v12, v14;
	_ =	sdelay $0x2  }
0x245: {  	v11 =	vmax.f32 v11, $0.0e+00  }
0x246: {  	[tilespmem:v16+s15+$0x0] =	vst.idx.msk $0xffff, v11;
	v11 =	vmax.f32 v15, $0.0e+00  }
0x247: {  	[tilespmem:v12+s15+$0x0] =	vst.idx.msk $0xffff, v11  }
0x248: {  	v12 =	vor.u32 $0x3, v9;
	v15 =	vld [tilespmem:s21+$0xC460]  }
0x249: {  	p3 =	por $0x1, $0x1;
	v16 =	vor.u32 v12, v13;
	v17 =	vld [tilespmem:s21+$0xC470]  }
.Ltmp17:
0x24a: {  	v14 =	vor.u32 v12, v14;
	(pc) =	sbr.rel @!p3 .LBB2_30-.Ltmp17, $3  }
0x24b: {  	_ =	sdelay $0x1  }
0x24c: {  	v15 =	vmax.f32 v15, $0.0e+00  }
0x24d: {  	s22 =	simm.s32 $0x80;
	s23 =	simm.s32 $0x400;
	p2 =	por $0x1, $0x1;
	v11 =	vand.u32 $0x4, v8;
	v13 =	vadd.s32 $0x4, v8;
	v12 =	vmovc v8;
	[tilespmem:v16+s15+$0x0] =	vst.idx.msk $0xffff, v15;
	v15 =	vmax.f32 v17, $0.0e+00  }
.LBB2_31:
0x24e: {  	s24 =	sshra.s32 s23, $0x2;
	v16 =	vand.u32 $0x4, v13;
	p3 =	sne.s32 s23, $0x3E00;
	s23 =	sadd.s32 $0x200, s23;
	v17 =	vand.u32 $0xFFFFFFF8, v12;
	v18 =	vor.u32 $0x3, v11;
	[tilespmem:v14+s15+$0x0] =	vst.idx.msk $0xffff, v15;
	v12 =	vmovc v13  }
0x24f: {  	v19 =	vor.u32 $0x1, v11;
	v14 =	vld [tilespmem:s22+$0xC400];
	v15 =	vadd.s32 v4, v17;
	v17 =	vadd.s32 v5, v17  }
0x250: {  	v20 =	vld [tilespmem:s22+$0xC410];
	v21 =	vor.u32 v11, v15;
	v22 =	vor.u32 v19, v15;
	v23 =	vor.u32 v18, v15  }
0x251: {  	v24 =	vor.u32 v11, v17;
	v19 =	vor.u32 v19, v17;
	_ =	sdelay $0x2  }
0x252: {  	v14 =	vmax.f32 v14, $0.0e+00  }
0x253: {  	[tilespmem:v21+s15+$0x0] =	vst.idx.msk $0xffff, v14;
	v14 =	vmax.f32 v20, $0.0e+00  }
0x254: {  	[tilespmem:v24+s15+$0x0] =	vst.idx.msk $0xffff, v14  }
0x255: {  	v14 =	vld [tilespmem:s22+$0xC420]  }
0x256: {  	v20 =	vld [tilespmem:s22+$0xC430];
	_ =	sdelay $0x3  }
0x257: {  	v14 =	vmax.f32 v14, $0.0e+00  }
0x258: {  	[tilespmem:v22+s15+$0x0] =	vst.idx.msk $0xffff, v14;
	v14 =	vmax.f32 v20, $0.0e+00  }
0x259: {  	[tilespmem:v19+s15+$0x0] =	vst.idx.msk $0xffff, v14  }
0x25a: {  	v19 =	vor.u32 $0x2, v11;
	v11 =	vmov v16;
	v14 =	vld [tilespmem:s22+$0xC440]  }
0x25b: {  	v15 =	vor.u32 v19, v15;
	v16 =	vld [tilespmem:s22+$0xC450]  }
0x25c: {  	v19 =	vor.u32 v19, v17;
	_ =	sdelay $0x2  }
0x25d: {  	v14 =	vmax.f32 v14, $0.0e+00  }
0x25e: {  	[tilespmem:v15+s15+$0x0] =	vst.idx.msk $0xffff, v14;
	v14 =	vmax.f32 v16, $0.0e+00  }
0x25f: {  	[tilespmem:v19+s15+$0x0] =	vst.idx.msk $0xffff, v14  }
0x260: {  	v15 =	vld [tilespmem:s22+$0xC460]  }
0x261: {  	v16 =	vld [tilespmem:s22+$0xC470];
	s22 =	smov.u32 s24  }
.Ltmp18:
0x262: {  	v14 =	vor.u32 v18, v17;
	(pc) =	sbr.rel @p3 .LBB2_31-.Ltmp18, $3  }
0x263: {  	_ =	sdelay $0x1  }
0x264: {  	v15 =	vmax.f32 v15, $0.0e+00  }
0x265: {  	v13 =	vadd.s32 $0x4, v13;
	[tilespmem:v23+s15+$0x0] =	vst.idx.msk $0xffff, v15;
	v15 =	vmax.f32 v16, $0.0e+00  }
.LBB2_32:
0x266: {  	_ =	sdelay $0x3  }
0x267: {  	v12 =	vand.u32 $0xFFFFFFF8, v12;
	[tilespmem:v14+s15+$0x0] =	vst.idx.msk @p2 $0xffff, v15  }
0x268: {  	v13 =	vld [tilespmem:s22+$0xC400];
	v53 =	vadd.s32 v4, v12  }
0x269: {  	v12 =	vadd.s32 v5, v12;
	v15 =	vld [tilespmem:s22+$0xC410];
	v16 =	vor.u32 v11, v53  }
0x26a: {  	v17 =	vor.u32 v11, v12;
	_ =	sdelay $0x2  }
0x26b: {  	v13 =	vmax.f32 v13, $0.0e+00  }
0x26c: {  	v54 =	vmax.f32 v15, $0.0e+00;
	[tilespmem:v16+s15+$0x0] =	vst.idx.msk $0xffff, v13  }
0x26d: {  	[tilespmem:v17+s15+$0x0] =	vst.idx.msk $0xffff, v54  }
0x26e: {  	v55 =	vor.u32 $0x1, v11;
	v56 =	vld [tilespmem:s22+$0xC420]  }
0x26f: {  	v57 =	vor.u32 v55, v53;
	v17 =	vld [tilespmem:s22+$0xC430]  }
0x270: {  	v13 =	vor.u32 v55, v12;
	_ =	sdelay $0x2  }
0x271: {  	v15 =	vmax.f32 v56, $0.0e+00  }
0x272: {  	v58 =	vmax.f32 v17, $0.0e+00;
	[tilespmem:v57+s15+$0x0] =	vst.idx.msk $0xffff, v15  }
0x273: {  	[tilespmem:v13+s15+$0x0] =	vst.idx.msk $0xffff, v58  }
0x274: {  	v59 =	vor.u32 $0x2, v11;
	v13 =	vld [tilespmem:s22+$0xC440]  }
0x275: {  	v60 =	vor.u32 v59, v53;
	v16 =	vld [tilespmem:s22+$0xC450]  }
0x276: {  	v15 =	vor.u32 v59, v12;
	_ =	sdelay $0x2  }
0x277: {  	v13 =	vmax.f32 v13, $0.0e+00  }
0x278: {  	v61 =	vmax.f32 v16, $0.0e+00;
	[tilespmem:v60+s15+$0x0] =	vst.idx.msk $0xffff, v13  }
0x279: {  	[tilespmem:v15+s15+$0x0] =	vst.idx.msk $0xffff, v61  }
0x27a: {  	v11 =	vor.u32 $0x3, v11;
	v13 =	vld [tilespmem:s22+$0xC460]  }
0x27b: {  	v14 =	vor.u32 v11, v53;
	v15 =	vld [tilespmem:s22+$0xC470]  }
0x27c: {  	v11 =	vor.u32 v11, v12  }
.Ltmp19:
0x27d: {  	_ = 	snop;
	(pc) =	sbr.rel @!p1 .LBB2_33-.Ltmp19, $4  }
0x27e: {  	_ = 	snop  }
0x27f: {  	v62 =	vmax.f32 v13, $0.0e+00  }
0x280: {  	v63 =	vmax.f32 v15, $0.0e+00;
	[tilespmem:v14+s15+$0x0] =	vst.idx.msk $0xffff, v62  }
0x281: {  	[tilespmem:v11+s15+$0x0] =	vst.idx.msk $0xffff, v63  }
0x282: {  	v10 =	vand.u32 $0xFFFFFFF8, v10  }
0x283: {  	v11 =	vld [tilespmem:s21+$0xD400];
	v12 =	vadd.s32 v6, v10  }
0x284: {  	v13 =	vld [tilespmem:s21+$0xD410];
	v10 =	vadd.s32 v7, v10;
	v14 =	vor.u32 v9, v12  }
0x285: {  	v15 =	vor.u32 v9, v10;
	_ =	sdelay $0x2  }
0x286: {  	v11 =	vmax.f32 v11, $0.0e+00  }
0x287: {  	[tilespmem:v14+s15+$0x0] =	vst.idx.msk $0xffff, v11;
	v11 =	vmax.f32 v13, $0.0e+00  }
0x288: {  	[tilespmem:v15+s15+$0x0] =	vst.idx.msk $0xffff, v11  }
0x289: {  	v11 =	vor.u32 $0x1, v9;
	v13 =	vld [tilespmem:s21+$0xD420]  }
0x28a: {  	v14 =	vor.u32 v11, v12;
	v15 =	vld [tilespmem:s21+$0xD430]  }
0x28b: {  	v11 =	vor.u32 v11, v10;
	_ =	sdelay $0x2  }
0x28c: {  	v13 =	vmax.f32 v13, $0.0e+00  }
0x28d: {  	[tilespmem:v14+s15+$0x0] =	vst.idx.msk $0xffff, v13;
	v13 =	vmax.f32 v15, $0.0e+00  }
0x28e: {  	[tilespmem:v11+s15+$0x0] =	vst.idx.msk $0xffff, v13  }
0x28f: {  	v13 =	vor.u32 $0x2, v9;
	v11 =	vld [tilespmem:s21+$0xD440]  }
0x290: {  	v14 =	vld [tilespmem:s21+$0xD450];
	v15 =	vor.u32 v13, v12  }
0x291: {  	v13 =	vor.u32 v13, v10;
	_ =	sdelay $0x2  }
0x292: {  	v11 =	vmax.f32 v11, $0.0e+00  }
0x293: {  	[tilespmem:v15+s15+$0x0] =	vst.idx.msk $0xffff, v11;
	v11 =	vmax.f32 v14, $0.0e+00  }
0x294: {  	[tilespmem:v13+s15+$0x0] =	vst.idx.msk $0xffff, v11  }
0x295: {  	v11 =	vor.u32 $0x3, v9;
	v13 =	vld [tilespmem:s21+$0xD460]  }
0x296: {  	p1 =	por $0x1, $0x1;
	v12 =	vor.u32 v11, v12;
	v14 =	vld [tilespmem:s21+$0xD470]  }
.Ltmp20:
0x297: {  	v11 =	vor.u32 v11, v10;
	(pc) =	sbr.rel @!p1 .LBB2_35-.Ltmp20, $3  }
0x298: {  	_ =	sdelay $0x1  }
0x299: {  	v13 =	vmax.f32 v13, $0.0e+00  }
0x29a: {  	s22 =	simm.s32 $0x400;
	p0 =	por $0x1, $0x1;
	v9 =	vand.u32 $0x4, v8;
	s21 =	simm.s32 $0x80;
	v10 =	vadd.s32 $0x4, v8;
	[tilespmem:v12+s15+$0x0] =	vst.idx.msk $0xffff, v13;
	v12 =	vmax.f32 v14, $0.0e+00  }
.LBB2_36:
0x29b: {  	s23 =	sshra.s32 s22, $0x2;
	v13 =	vand.u32 $0x4, v10;
	p1 =	sne.s32 s22, $0x3E00;
	s22 =	sadd.s32 $0x200, s22;
	v14 =	vand.u32 $0xFFFFFFF8, v8;
	v15 =	vor.u32 $0x3, v9;
	[tilespmem:v11+s15+$0x0] =	vst.idx.msk $0xffff, v12;
	v8 =	vmovc v10  }
0x29c: {  	v16 =	vor.u32 $0x1, v9;
	v11 =	vld [tilespmem:s21+$0xD400];
	v12 =	vadd.s32 v6, v14;
	v14 =	vadd.s32 v7, v14  }
0x29d: {  	v17 =	vld [tilespmem:s21+$0xD410];
	v18 =	vor.u32 v9, v12;
	v19 =	vor.u32 v16, v12;
	v20 =	vor.u32 v15, v12  }
0x29e: {  	v21 =	vor.u32 v9, v14;
	v16 =	vor.u32 v16, v14;
	_ =	sdelay $0x2  }
0x29f: {  	v11 =	vmax.f32 v11, $0.0e+00  }
0x2a0: {  	[tilespmem:v18+s15+$0x0] =	vst.idx.msk $0xffff, v11;
	v11 =	vmax.f32 v17, $0.0e+00  }
0x2a1: {  	[tilespmem:v21+s15+$0x0] =	vst.idx.msk $0xffff, v11  }
0x2a2: {  	v11 =	vld [tilespmem:s21+$0xD420]  }
0x2a3: {  	v17 =	vld [tilespmem:s21+$0xD430];
	_ =	sdelay $0x3  }
0x2a4: {  	v11 =	vmax.f32 v11, $0.0e+00  }
0x2a5: {  	[tilespmem:v19+s15+$0x0] =	vst.idx.msk $0xffff, v11;
	v11 =	vmax.f32 v17, $0.0e+00  }
0x2a6: {  	[tilespmem:v16+s15+$0x0] =	vst.idx.msk $0xffff, v11  }
0x2a7: {  	v16 =	vor.u32 $0x2, v9;
	v9 =	vmov v13;
	v11 =	vld [tilespmem:s21+$0xD440]  }
0x2a8: {  	v12 =	vor.u32 v16, v12;
	v13 =	vld [tilespmem:s21+$0xD450]  }
0x2a9: {  	v16 =	vor.u32 v16, v14;
	_ =	sdelay $0x2  }
0x2aa: {  	v11 =	vmax.f32 v11, $0.0e+00  }
0x2ab: {  	[tilespmem:v12+s15+$0x0] =	vst.idx.msk $0xffff, v11;
	v11 =	vmax.f32 v13, $0.0e+00  }
0x2ac: {  	[tilespmem:v16+s15+$0x0] =	vst.idx.msk $0xffff, v11  }
0x2ad: {  	v12 =	vld [tilespmem:s21+$0xD460]  }
0x2ae: {  	v13 =	vld [tilespmem:s21+$0xD470];
	s21 =	smov.u32 s23  }
.Ltmp21:
0x2af: {  	v11 =	vor.u32 v15, v14;
	(pc) =	sbr.rel @p1 .LBB2_36-.Ltmp21, $3  }
0x2b0: {  	_ =	sdelay $0x1  }
0x2b1: {  	v12 =	vmax.f32 v12, $0.0e+00  }
0x2b2: {  	v10 =	vadd.s32 $0x4, v10;
	[tilespmem:v20+s15+$0x0] =	vst.idx.msk $0xffff, v12;
	v12 =	vmax.f32 v13, $0.0e+00  }
0x2b3: {  	v10 =	vmov v8  }
.LBB2_38:
0x2b4: {  	_ =	sdelay $0x3  }
0x2b5: {  	v8 =	vand.u32 $0xFFFFFFF8, v10;
	[tilespmem:v11+s15+$0x0] =	vst.idx.msk @p0 $0xffff, v12  }
0x2b6: {  	v51 =	vld [tilespmem:s21+$0xD400];
	v52 =	vadd.s32 v6, v8  }
0x2b7: {  	v8 =	vadd.s32 v7, v8;
	v12 =	vld [tilespmem:s21+$0xD410];
	v13 =	vor.u32 v9, v52  }
0x2b8: {  	v14 =	vor.u32 v9, v8;
	_ =	sdelay $0x2  }
0x2b9: {  	v10 =	vmax.f32 v51, $0.0e+00  }
0x2ba: {  	v53 =	vmax.f32 v12, $0.0e+00;
	[tilespmem:v13+s15+$0x0] =	vst.idx.msk $0xffff, v10  }
0x2bb: {  	[tilespmem:v14+s15+$0x0] =	vst.idx.msk $0xffff, v53  }
0x2bc: {  	v54 =	vor.u32 $0x1, v9;
	v55 =	vld [tilespmem:s21+$0xD420]  }
0x2bd: {  	v56 =	vor.u32 v54, v52;
	v14 =	vld [tilespmem:s21+$0xD430]  }
0x2be: {  	v10 =	vor.u32 v54, v8;
	_ =	sdelay $0x2  }
0x2bf: {  	v12 =	vmax.f32 v55, $0.0e+00  }
0x2c0: {  	v57 =	vmax.f32 v14, $0.0e+00;
	[tilespmem:v56+s15+$0x0] =	vst.idx.msk $0xffff, v12  }
0x2c1: {  	[tilespmem:v10+s15+$0x0] =	vst.idx.msk $0xffff, v57  }
0x2c2: {  	v58 =	vor.u32 $0x2, v9;
	v10 =	vld [tilespmem:s21+$0xD440]  }
0x2c3: {  	v59 =	vor.u32 v58, v52;
	v13 =	vld [tilespmem:s21+$0xD450]  }
0x2c4: {  	v12 =	vor.u32 v58, v8;
	_ =	sdelay $0x2  }
0x2c5: {  	v10 =	vmax.f32 v10, $0.0e+00  }
0x2c6: {  	v60 =	vmax.f32 v13, $0.0e+00;
	[tilespmem:v59+s15+$0x0] =	vst.idx.msk $0xffff, v10  }
0x2c7: {  	[tilespmem:v12+s15+$0x0] =	vst.idx.msk $0xffff, v60  }
0x2c8: {  	v61 =	vor.u32 $0x3, v9;
	v10 =	vld [tilespmem:s21+$0xD460]  }
0x2c9: {  	v11 =	vor.u32 v61, v52;
	v12 =	vld [tilespmem:s21+$0xD470]  }
0x2ca: {  	s20 =	sadd.s32 s6, s20;
	v8 =	vor.u32 v61, v8  }
0x2cb: {  	s31 =	sshll.u32 s20, $0x9  }
0x2cc: {  	s20 =	sshll.u32 s20, $0xB;
	s21 =	sand.u32 $0x3E00, s31  }
0x2cd: {  	s20 =	sand.u32 $0xFFF0000, s20;
	s21 =	sadd.s32 s2, s21;
	v62 =	vmax.f32 v10, $0.0e+00  }
0x2ce: {  	s22 =	simm.s32 $0x10;
	s20 =	sadd.s32 s20, s21;
	v63 =	vmax.f32 v12, $0.0e+00;
	[tilespmem:v11+s15+$0x0] =	vst.idx.msk $0xffff, v62  }
0x2cf: {  	s23 =	simm.s32 $0x12888;
	s21 =	simm.s32 $0x12800;
	s24 =	sadd.s32 $0x0, s20;
	[tilespmem:v8+s15+$0x0] =	vst.idx.msk $0xffff, v63  }
.LBB2_39:
0x2d0: {  	[hbm4b:s24+s3] =	stream.linear.scatter [tilespmem:s21], [sflag:$0x4], $0x80, $0x38;
	[tilespmem:$0x16C00] =	vst v63  }
0x2d1: {  	s24 =	smov.u32 s22;
	s21 =	smov.u32 s23;
	p0 =	sne.s32 s22, $0x1F0  }
.Ltmp22:
0x2d2: {  	s22 =	sadd.s32 $0x10, s22;
	(pc) =	sbr.rel @p0 .LBB2_39-.Ltmp22, $2  }
0x2d3: {  	_ =	sdelay $0x2  }
0x2d4: {  	s23 =	sadd.s32 $0x88, s23;
	s24 =	sadd.s32 s24, s20  }
0x2d5: {  	[hbm4b:s24+s3] =	stream.linear.scatter [tilespmem:s21], [sflag:$0x4], $0x80, $0x38;
	[tilespmem:$0x16C00] =	vst v63  }
0x2d6: {  	s21 =	sadd.s32 $0x4000, s20;
	s22 =	simm.s32 $0x13900  }
0x2d7: {  	s23 =	simm.s32 $0x10;
	s24 =	simm.s32 $0x13988;
	s25 =	sadd.s32 $0x0, s21  }
.LBB2_41:
0x2d8: {  	[hbm4b:s25+s3] =	stream.linear.scatter [tilespmem:s22], [sflag:$0x4], $0x80, $0x38;
	[tilespmem:$0x16C00] =	vst v63  }
0x2d9: {  	s25 =	smov.u32 s23;
	s22 =	smov.u32 s24;
	p0 =	sne.s32 s23, $0x1F0  }
.Ltmp23:
0x2da: {  	s23 =	sadd.s32 $0x10, s23;
	(pc) =	sbr.rel @p0 .LBB2_41-.Ltmp23, $2  }
0x2db: {  	_ =	sdelay $0x2  }
0x2dc: {  	s24 =	sadd.s32 $0x88, s24;
	s25 =	sadd.s32 s25, s21  }
0x2dd: {  	[hbm4b:s25+s3] =	stream.linear.scatter [tilespmem:s22], [sflag:$0x4], $0x80, $0x38;
	[tilespmem:$0x16C00] =	vst v63  }
0x2de: {  	s21 =	sadd.s32 $0x8000, s20;
	s22 =	simm.s32 $0x14A00  }
0x2df: {  	s23 =	simm.s32 $0x10;
	s24 =	simm.s32 $0x14A88;
	s25 =	sadd.s32 $0x0, s21  }
.LBB2_43:
0x2e0: {  	[hbm4b:s25+s3] =	stream.linear.scatter [tilespmem:s22], [sflag:$0x4], $0x80, $0x38;
	[tilespmem:$0x16C00] =	vst v63  }
0x2e1: {  	s25 =	smov.u32 s23;
	s22 =	smov.u32 s24;
	p0 =	sne.s32 s23, $0x1F0  }
.Ltmp24:
0x2e2: {  	s23 =	sadd.s32 $0x10, s23;
	(pc) =	sbr.rel @p0 .LBB2_43-.Ltmp24, $2  }
0x2e3: {  	_ =	sdelay $0x2  }
0x2e4: {  	s24 =	sadd.s32 $0x88, s24;
	s25 =	sadd.s32 s25, s21  }
0x2e5: {  	[hbm4b:s25+s3] =	stream.linear.scatter [tilespmem:s22], [sflag:$0x4], $0x80, $0x38;
	[tilespmem:$0x16C00] =	vst v63  }
0x2e6: {  	s20 =	sadd.s32 $0xC000, s20;
	s21 =	simm.s32 $0x15B00  }
0x2e7: {  	s22 =	simm.s32 $0x10;
	s23 =	simm.s32 $0x15B88;
	s24 =	sadd.s32 $0x0, s20  }
.LBB2_45:
0x2e8: {  	[hbm4b:s24+s3] =	stream.linear.scatter [tilespmem:s21], [sflag:$0x4], $0x80, $0x38;
	[tilespmem:$0x16C00] =	vst v63  }
0x2e9: {  	s24 =	smov.u32 s22;
	s21 =	smov.u32 s23;
	p0 =	sne.s32 s22, $0x1F0  }
.Ltmp25:
0x2ea: {  	s22 =	sadd.s32 $0x10, s22;
	(pc) =	sbr.rel @p0 .LBB2_45-.Ltmp25, $2  }
0x2eb: {  	_ =	sdelay $0x2  }
0x2ec: {  	s23 =	sadd.s32 $0x88, s23;
	s24 =	sadd.s32 s24, s20  }
0x2ed: {  	s19 =	sadd.s32 $0x1, s19  }
0x2ee: {  	p0 =	sne.s32 s19, $0x19  }
.Ltmp26:
0x2ef: {  	_ = 	snop;
	(pc) =	sbr.rel @p0 .LBB2_2-.Ltmp26, $4  }
.Ltmp27:
0x2f0: {  	_ = 	snop;
	(pc) =	sbr.rel @!p0 .LBB2_47-.Ltmp27, $4  }
0x2f1: {  	_ = 	snop  }
0x2f2: {  	_ = 	snop  }
0x2f3: {  	[hbm4b:s24+s3] =	stream.linear.scatter [tilespmem:s21], [sflag:$0x4], $0x80, $0x38;
	[tilespmem:$0x16C00] =	vst v63  }
0x2f4: {  	_ = 	snop  }
.LBB2_11:
.Ltmp28:
0x2f5: {  	(pc) =	sbr.rel .LBB2_16-.Ltmp28, $2  }
0x2f6: {  	_ =	sdelay $0x2  }
0x2f7: {  	_ = 	snop  }
.LBB2_33:
.Ltmp29:
0x2f8: {  	(pc) =	sbr.rel .LBB2_38-.Ltmp29, $2  }
0x2f9: {  	_ =	sdelay $0x2  }
0x2fa: {  	_ = 	snop  }
.LBB2_8:
.Ltmp30:
0x2fb: {  	(pc) =	sbr.rel .LBB2_10-.Ltmp30, $2  }
0x2fc: {  	_ =	sdelay $0x2  }
0x2fd: {  	v12 =	vmov v8  }
.LBB2_13:
.Ltmp31:
0x2fe: {  	(pc) =	sbr.rel .LBB2_16-.Ltmp31, $2  }
0x2ff: {  	_ =	sdelay $0x2  }
0x300: {  	v10 =	vmov v8;
	s22 =	simm.s32 $0x80  }
.LBB2_30:
.Ltmp32:
0x301: {  	(pc) =	sbr.rel .LBB2_32-.Ltmp32, $2  }
0x302: {  	_ =	sdelay $0x2  }
0x303: {  	v12 =	vmov v8  }
.LBB2_35:
.Ltmp33:
0x304: {  	(pc) =	sbr.rel .LBB2_38-.Ltmp33, $2  }
0x305: {  	_ =	sdelay $0x2  }
0x306: {  	v10 =	vmov v8;
	s21 =	simm.s32 $0x80  }
.LBB2_48:
0x307: {  	_ =	sfence.sel $0x180000  }
0x308: {  	[bflag:$0x0] =	sbarrier.arrive $0xFFFF  }
0x309: {  	p0 =	sne.s32 s0, $0x0;
	_ =	strace $0x90000047  }
0x30a: {  	s0 =	sadd.s32 @!p0 $0x100000, s1;
	[bflag:$0x2] =	sbarrier.arrive $0xFFFF  }
0x30b: {  	[sflag:s0] =	ssyncadd.tile.s32 @!p0 $0x1;
	_ =	shalt  }
.Lfunc_end2:
_tile_overlayer_lowered:
.L_overlay_start_2:
0x30c: {  	(tag) =	ssettag $0x2  }
0x30d: {  	s0 =	rddreg [dreg:$0x0];
	s2 =	stileid.u32  }
0x30e: {  	s1 =	rddreg [dreg:$0x1];
	p0 =	sne.s32 s2, $0x0  }
0x30f: {  	s3 =	rddreg [dreg:$0x2];
	[bflag:$0x3] =	sbarrier.arrive $0xFFFF;
	s2 =	simm.s32 @!p0 $0x1C05  }
0x310: {  	[timem:s3], [sflag:s2] =	dma.local @!p0 [hbm:s0], s1  }
0x311: {  	s0 =	simm.s32 @!p0 $0x5  }
0x312: {  	_ =	swait.ge @!p0 [sflag:s0], s1  }
0x313: {  	s1 =	ssub.s32 @!p0 $0x0, s1;
	[sflag:s0] =	ssyncset.done @!p0 $0x0  }
0x314: {  	[sflag:s0] =	ssyncadd.s32 @!p0 s1  }
0x315: {  	[bflag:$0x3] =	sbarrier.arrive $0xFFFF  }
0x316: {  	_ =	shalt  }

</sc_bundles>
